<compile_context>
chip_gen: v7x
topology: tpu7x:2x2x1
jax: 0.10.2.dev20260603
libtpu: 0.0.44.dev20260713+nightly
codegen_flags: <defaults>
</compile_context>

<pallas_src>
import functools

import jax
import jax.numpy as jnp
from jax import lax
from jax.experimental import pallas as pl
from jax.experimental.pallas import tpu as pltpu
from jax.experimental.pallas import tpu_sc as plsc

BATCH = 16384
DIM = 128
TABLE_ROWS = 1000

NUM_CORES = 2
NUM_SUBCORES = 16
NUM_WORKERS = NUM_CORES * NUM_SUBCORES
ROWS_PER_WORKER = BATCH // NUM_WORKERS
CHUNK = 64
NUM_CHUNKS = ROWS_PER_WORKER // CHUNK

STAGE_ROWS = 64
STAGE_LAST = TABLE_ROWS - 15 * STAGE_ROWS


def _mlp_body(table_ref, w1_ref, b1_ref, w2_ref, b2_ref, out_ref):
    x = table_ref[...]
    h = jnp.dot(x, w1_ref[...], preferred_element_type=jnp.float32) + b1_ref[...]
    h = h * jax.nn.sigmoid(h)
    h = jnp.dot(h, w2_ref[...], preferred_element_type=jnp.float32) + b2_ref[...]
    out_ref[...] = h * jax.nn.sigmoid(h)


def _mlp_table(table, W1, b1, W2, b2):
    return pl.pallas_call(
        _mlp_body,
        out_shape=jax.ShapeDtypeStruct((TABLE_ROWS, DIM), jnp.float32),
    )(table, W1, b1, W2, b2)


_SC_MESH = plsc.VectorSubcoreMesh(core_axis_name="c", subcore_axis_name="s")


@functools.partial(
    pl.kernel,
    mesh=_SC_MESH,
    out_type=jax.ShapeDtypeStruct((BATCH, DIM), jnp.float32),
    scratch_types=[
        pltpu.VMEM_SHARED((TABLE_ROWS, DIM), jnp.float32),
        pltpu.VMEM((ROWS_PER_WORKER,), jnp.int32),
        pltpu.VMEM((ROWS_PER_WORKER, DIM), jnp.float32),
        [pltpu.SemaphoreType.DMA] * NUM_CHUNKS,
        pltpu.SemaphoreType.DMA,
        pltpu.SemaphoreType.DMA,
    ],
)
def _gather(table_hbm, idx_hbm, out_hbm, table_sh, idx_v, rows_v, gsems, wsem, ssem):
    cid = lax.axis_index("c")
    sid = lax.axis_index("s")
    wid = sid * NUM_CORES + cid
    base = wid * ROWS_PER_WORKER

    idx_cp = pltpu.async_copy(idx_hbm.at[pl.ds(base, ROWS_PER_WORKER)], idx_v, wsem)

    @pl.when(sid < 15)
    def _stage_full():
        pltpu.async_copy(
            table_hbm.at[pl.ds(sid * STAGE_ROWS, STAGE_ROWS)],
            table_sh.at[pl.ds(sid * STAGE_ROWS, STAGE_ROWS)],
            ssem,
        ).wait()

    @pl.when(sid == 15)
    def _stage_tail():
        pltpu.async_copy(
            table_hbm.at[pl.ds(15 * STAGE_ROWS, STAGE_LAST)],
            table_sh.at[pl.ds(15 * STAGE_ROWS, STAGE_LAST)],
            ssem,
        ).wait()

    idx_cp.wait()
    plsc.subcore_barrier()
    gathers = []
    for j in range(NUM_CHUNKS):
        gathers.append(
            pltpu.async_copy(
                table_sh.at[idx_v.at[pl.ds(j * CHUNK, CHUNK)]],
                rows_v.at[pl.ds(j * CHUNK, CHUNK)],
                gsems[j],
            )
        )
    writes = []
    for j in range(NUM_CHUNKS):
        gathers[j].wait()
        writes.append(
            pltpu.async_copy(
                rows_v.at[pl.ds(j * CHUNK, CHUNK)],
                out_hbm.at[pl.ds(base + j * CHUNK, CHUNK)],
                wsem,
            )
        )
    for w in writes:
        w.wait()


def kernel(diffusion_step, embedding, W1, b1, W2, b2):
    transformed = _mlp_table(
        embedding, W1, b1.reshape(1, DIM), W2, b2.reshape(1, DIM)
    )
    return _gather(transformed, diffusion_step.astype(jnp.int32))

# --- scband reference (transcript-rebuilt; emitter-appended) ---
"""Pipeline reference for scband-diffusion-embedding-14388140442242 (READ-ONLY COPY).

The authoritative reference and input builder live on the scoring server;
editing this copy changes nothing except your own understanding.
"""

import jax, jax.numpy as jnp
import numpy as np

NUM_STEPS = 1000
EMBEDDING_DIM = 128
PROJECTION_DIM = 128
BATCH = 16384


def _build_embedding(num_steps, dim):
    steps = jnp.arange(num_steps, dtype=jnp.float32)[:, None]
    frequencies = (10.0 ** (jnp.arange(dim, dtype=jnp.float32) / (dim - 1) * 4.0))[None, :]
    table = steps * frequencies
    table = jnp.concatenate([jnp.sin(table), jnp.cos(table)], axis=1)
    return table


def _silu(x):
    return x * jax.nn.sigmoid(x)


def setup_inputs(seed: int = 0) -> dict:
    key = jax.random.key(seed)
    k1, k2, k3, k4, k5 = jax.random.split(key, 5)
    embedding = _build_embedding(NUM_STEPS, EMBEDDING_DIM // 2)
    diffusion_step = jax.random.randint(k1, (BATCH,), 0, NUM_STEPS, dtype=jnp.int32).astype(jnp.int64) if jax.config.jax_enable_x64 else jax.random.randint(k1, (BATCH,), 0, NUM_STEPS, dtype=jnp.int32)
    s1 = 1.0 / np.sqrt(EMBEDDING_DIM)
    s2 = 1.0 / np.sqrt(PROJECTION_DIM)
    W1 = jax.random.uniform(k2, (EMBEDDING_DIM, PROJECTION_DIM), jnp.float32, -s1, s1)
    b1 = jax.random.uniform(k3, (PROJECTION_DIM,), jnp.float32, -s1, s1)
    W2 = jax.random.uniform(k4, (PROJECTION_DIM, PROJECTION_DIM), jnp.float32, -s2, s2)
    b2 = jax.random.uniform(k5, (PROJECTION_DIM,), jnp.float32, -s2, s2)
    return {"diffusion_step": diffusion_step, "embedding": embedding, "W1": W1, "b1": b1, "W2": W2, "b2": b2}


def reference(diffusion_step, embedding, W1, b1, W2, b2):
    x = jnp.take(embedding, diffusion_step, axis=0)
    x = x @ W1 + b1
    x = _silu(x)
    x = x @ W2 + b2
    x = _silu(x)
    return x

if __name__ == "__main__":
    import jax
    _d = setup_inputs()
    print(jax.jit(kernel)(*tuple(_d.values())))

</pallas_src>

<mosaic_0001>
#map = affine_map<(d0, d1) -> (0, 0)>
#map1 = affine_map<(d0, d1) -> (0)>
module attributes {stable_mosaic.version = 14 : i64} {
  func.func @_gather(%arg0: i32, %arg1: i32, %arg2: memref<1000x128xf32, #tpu.memory_space<hbm>>, %arg3: memref<16384xi32, #tpu.memory_space<hbm>>, %arg4: memref<16384x128xf32, #tpu.memory_space<hbm>>, %arg5: memref<1000x128xf32, #tpu.memory_space<vmem_shared>>, %arg6: memref<512xi32, #tpu.memory_space<vmem>>, %arg7: memref<512x128xf32, #tpu.memory_space<vmem>>, %arg8: memref<!tpu.dma_semaphore, #tpu.memory_space<semaphore_mem>>, %arg9: memref<!tpu.dma_semaphore, #tpu.memory_space<semaphore_mem>>, %arg10: memref<!tpu.dma_semaphore, #tpu.memory_space<semaphore_mem>>, %arg11: memref<!tpu.dma_semaphore, #tpu.memory_space<semaphore_mem>>, %arg12: memref<!tpu.dma_semaphore, #tpu.memory_space<semaphore_mem>>, %arg13: memref<!tpu.dma_semaphore, #tpu.memory_space<semaphore_mem>>, %arg14: memref<!tpu.dma_semaphore, #tpu.memory_space<semaphore_mem>>, %arg15: memref<!tpu.dma_semaphore, #tpu.memory_space<semaphore_mem>>, %arg16: memref<!tpu.dma_semaphore, #tpu.memory_space<semaphore_mem>>, %arg17: memref<!tpu.dma_semaphore, #tpu.memory_space<semaphore_mem>>) attributes {dimension_semantics = [#tpu.dimension_semantics<core_parallel>, #tpu.dimension_semantics<subcore_parallel>], iteration_bounds = array<i64: 2, 16>, scalar_prefetch = 0 : i64, scratch_operands = 13 : i64, tpu.core_type = #tpu.core_type<sc_vector_subcore>, window_params = [{transform_indices = #map}, {transform_indices = #map1}, {transform_indices = #map}]} {
    %mul3A = arith.constant 2 : i32
    %mul3A_0 = arith.muli %arg1, %mul3A : i32
    %add3A = arith.addi %mul3A_0, %arg0 : i32
    %mul3A_1 = arith.constant 512 : i32
    %mul3A_2 = arith.muli %add3A, %mul3A_1 : i32
    %dma_start3A = tpu.memref_slice %arg3[%mul3A_2] : memref<16384xi32, #tpu.memory_space<hbm>> -> memref<512xi32, #tpu.memory_space<hbm>>
    %dma_start3A_3 = tpu.memref_slice %arg3[%mul3A_2] : memref<16384xi32, #tpu.memory_space<hbm>> -> memref<512xi32, #tpu.memory_space<hbm>>
    tpu.enqueue_dma source(%dma_start3A_3 : memref<512xi32, #tpu.memory_space<hbm>>) target(%arg6 : memref<512xi32, #tpu.memory_space<vmem>>) target_semaphore(%arg16 : memref<!tpu.dma_semaphore, #tpu.memory_space<semaphore_mem>>)
    %lt3A = arith.constant 15 : i32
    %lt3A_4 = arith.cmpi slt, %arg1, %lt3A : i32
    %convert_element_type3A = arith.extui %lt3A_4 : i1 to i32
    %cond3A = arith.constant 0 : i32
    %cond3A_5 = arith.cmpi ne, %convert_element_type3A, %cond3A : i32
    scf.if %cond3A_5 {
      %mul3A_315 = arith.constant 64 : i32
      %mul3A_316 = arith.muli %arg1, %mul3A_315 : i32
      %mul3A_317 = arith.constant 64 : i32
      %mul3A_318 = arith.muli %arg1, %mul3A_317 : i32
      %dma_start3A_319 = arith.constant 0 : i32
      %dma_start3A_320 = tpu.memref_slice %arg5[%mul3A_318, %dma_start3A_319] : memref<1000x128xf32, #tpu.memory_space<vmem_shared>> -> memref<64x128xf32, #tpu.memory_space<vmem_shared>>
      %dma_start3A_321 = arith.constant 0 : i32
      %dma_start3A_322 = tpu.memref_slice %arg2[%mul3A_316, %dma_start3A_321] : memref<1000x128xf32, #tpu.memory_space<hbm>> -> memref<64x128xf32, #tpu.memory_space<hbm>>
      tpu.enqueue_dma source(%dma_start3A_322 : memref<64x128xf32, #tpu.memory_space<hbm>>) target(%dma_start3A_320 : memref<64x128xf32, #tpu.memory_space<vmem_shared>>) target_semaphore(%arg17 : memref<!tpu.dma_semaphore, #tpu.memory_space<semaphore_mem>>)
      %dma_wait3A_323 = arith.constant 0 : i32
      %dma_wait3A_324 = tpu.memref_slice %arg5[%mul3A_318, %dma_wait3A_323] : memref<1000x128xf32, #tpu.memory_space<vmem_shared>> -> memref<64x128xf32, #tpu.memory_space<vmem_shared>>
      %dma_wait3A_325 = arith.constant 0 : i32
      %dma_wait3A_326 = tpu.memref_slice %arg2[%mul3A_316, %dma_wait3A_325] : memref<1000x128xf32, #tpu.memory_space<hbm>> -> memref<64x128xf32, #tpu.memory_space<hbm>>
      tpu.wait_dma2 semaphore(%arg17 : memref<!tpu.dma_semaphore, #tpu.memory_space<semaphore_mem>>) src(%dma_wait3A_326 : memref<64x128xf32, #tpu.memory_space<hbm>>) dst(%dma_wait3A_324 : memref<64x128xf32, #tpu.memory_space<vmem_shared>>)
    } else {
    }
    %eq3A = arith.constant 15 : i32
    %eq3A_6 = arith.cmpi eq, %arg1, %eq3A : i32
    %convert_element_type3A_7 = arith.extui %eq3A_6 : i1 to i32
    %cond3A_8 = arith.constant 0 : i32
    %cond3A_9 = arith.cmpi ne, %convert_element_type3A_7, %cond3A_8 : i32
    scf.if %cond3A_9 {
      %dma_start3A_315 = arith.constant 960 : i32
      %dma_start3A_316 = arith.constant 0 : i32
      %dma_start3A_317 = tpu.memref_slice %arg5[%dma_start3A_315, %dma_start3A_316] : memref<1000x128xf32, #tpu.memory_space<vmem_shared>> -> memref<40x128xf32, #tpu.memory_space<vmem_shared>>
      %dma_start3A_318 = arith.constant 960 : i32
      %dma_start3A_319 = arith.constant 0 : i32
      %dma_start3A_320 = tpu.memref_slice %arg2[%dma_start3A_318, %dma_start3A_319] : memref<1000x128xf32, #tpu.memory_space<hbm>> -> memref<40x128xf32, #tpu.memory_space<hbm>>
      tpu.enqueue_dma source(%dma_start3A_320 : memref<40x128xf32, #tpu.memory_space<hbm>>) target(%dma_start3A_317 : memref<40x128xf32, #tpu.memory_space<vmem_shared>>) target_semaphore(%arg17 : memref<!tpu.dma_semaphore, #tpu.memory_space<semaphore_mem>>)
      %dma_wait3A_321 = arith.constant 960 : i32
      %dma_wait3A_322 = arith.constant 0 : i32
      %dma_wait3A_323 = tpu.memref_slice %arg5[%dma_wait3A_321, %dma_wait3A_322] : memref<1000x128xf32, #tpu.memory_space<vmem_shared>> -> memref<40x128xf32, #tpu.memory_space<vmem_shared>>
      %dma_wait3A_324 = arith.constant 960 : i32
      %dma_wait3A_325 = arith.constant 0 : i32
      %dma_wait3A_326 = tpu.memref_slice %arg2[%dma_wait3A_324, %dma_wait3A_325] : memref<1000x128xf32, #tpu.memory_space<hbm>> -> memref<40x128xf32, #tpu.memory_space<hbm>>
      tpu.wait_dma2 semaphore(%arg17 : memref<!tpu.dma_semaphore, #tpu.memory_space<semaphore_mem>>) src(%dma_wait3A_326 : memref<40x128xf32, #tpu.memory_space<hbm>>) dst(%dma_wait3A_323 : memref<40x128xf32, #tpu.memory_space<vmem_shared>>)
    } else {
    }
    %dma_wait3A = tpu.memref_slice %arg3[%mul3A_2] : memref<16384xi32, #tpu.memory_space<hbm>> -> memref<512xi32, #tpu.memory_space<hbm>>
    %dma_wait3A_10 = tpu.memref_slice %arg3[%mul3A_2] : memref<16384xi32, #tpu.memory_space<hbm>> -> memref<512xi32, #tpu.memory_space<hbm>>
    tpu.wait_dma2 semaphore(%arg16 : memref<!tpu.dma_semaphore, #tpu.memory_space<semaphore_mem>>) src(%dma_wait3A_10 : memref<512xi32, #tpu.memory_space<hbm>>) dst(%arg6 : memref<512xi32, #tpu.memory_space<vmem>>)
    %barrier3A = arith.constant 0 : index
    tpu.barrier barrier_id(%barrier3A)
    %dma_start3A_11 = arith.constant 0 : i32
    %dma_start3A_12 = arith.constant 0 : i32
    %dma_start3A_13 = tpu.memref_slice %arg7[%dma_start3A_11, %dma_start3A_12] : memref<512x128xf32, #tpu.memory_space<vmem>> -> memref<64x128xf32, #tpu.memory_space<vmem>>
    %dma_start3A_14 = arith.constant 0 : i32
    %dma_start3A_15 = tpu.memref_slice %arg6[%dma_start3A_14] : memref<512xi32, #tpu.memory_space<vmem>> -> memref<64xi32, #tpu.memory_space<vmem>>
    %dma_start3A_16 = arith.constant 0 : i32
    %dma_start3A_17 = arith.constant 0 : i32
    %dma_start3A_18 = tpu.memref_slice %arg5[%dma_start3A_16, %dma_start3A_17] : memref<1000x128xf32, #tpu.memory_space<vmem_shared>> -> memref<1000x128xf32, #tpu.memory_space<vmem_shared>>
    tpu.enqueue_indirect_dma source(%dma_start3A_18 : memref<1000x128xf32, #tpu.memory_space<vmem_shared>>) target(%dma_start3A_13 : memref<64x128xf32, #tpu.memory_space<vmem>>) offsets(%dma_start3A_15 : memref<64xi32, #tpu.memory_space<vmem>>) semaphore(%arg8 : memref<!tpu.dma_semaphore, #tpu.memory_space<semaphore_mem>>)
    %dma_start3A_19 = arith.constant 64 : i32
    %dma_start3A_20 = arith.constant 0 : i32
    %dma_start3A_21 = tpu.memref_slice %arg7[%dma_start3A_19, %dma_start3A_20] : memref<512x128xf32, #tpu.memory_space<vmem>> -> memref<64x128xf32, #tpu.memory_space<vmem>>
    %dma_start3A_22 = arith.constant 64 : i32
    %dma_start3A_23 = tpu.memref_slice %arg6[%dma_start3A_22] : memref<512xi32, #tpu.memory_space<vmem>> -> memref<64xi32, #tpu.memory_space<vmem>>
    %dma_start3A_24 = arith.constant 0 : i32
    %dma_start3A_25 = arith.constant 0 : i32
    %dma_start3A_26 = tpu.memref_slice %arg5[%dma_start3A_24, %dma_start3A_25] : memref<1000x128xf32, #tpu.memory_space<vmem_shared>> -> memref<1000x128xf32, #tpu.memory_space<vmem_shared>>
    tpu.enqueue_indirect_dma source(%dma_start3A_26 : memref<1000x128xf32, #tpu.memory_space<vmem_shared>>) target(%dma_start3A_21 : memref<64x128xf32, #tpu.memory_space<vmem>>) offsets(%dma_start3A_23 : memref<64xi32, #tpu.memory_space<vmem>>) semaphore(%arg9 : memref<!tpu.dma_semaphore, #tpu.memory_space<semaphore_mem>>)
    %dma_start3A_27 = arith.constant 128 : i32
    %dma_start3A_28 = arith.constant 0 : i32
    %dma_start3A_29 = tpu.memref_slice %arg7[%dma_start3A_27, %dma_start3A_28] : memref<512x128xf32, #tpu.memory_space<vmem>> -> memref<64x128xf32, #tpu.memory_space<vmem>>
    %dma_start3A_30 = arith.constant 128 : i32
    %dma_start3A_31 = tpu.memref_slice %arg6[%dma_start3A_30] : memref<512xi32, #tpu.memory_space<vmem>> -> memref<64xi32, #tpu.memory_space<vmem>>
    %dma_start3A_32 = arith.constant 0 : i32
    %dma_start3A_33 = arith.constant 0 : i32
    %dma_start3A_34 = tpu.memref_slice %arg5[%dma_start3A_32, %dma_start3A_33] : memref<1000x128xf32, #tpu.memory_space<vmem_shared>> -> memref<1000x128xf32, #tpu.memory_space<vmem_shared>>
    tpu.enqueue_indirect_dma source(%dma_start3A_34 : memref<1000x128xf32, #tpu.memory_space<vmem_shared>>) target(%dma_start3A_29 : memref<64x128xf32, #tpu.memory_space<vmem>>) offsets(%dma_start3A_31 : memref<64xi32, #tpu.memory_space<vmem>>) semaphore(%arg10 : memref<!tpu.dma_semaphore, #tpu.memory_space<semaphore_mem>>)
    %dma_start3A_35 = arith.constant 192 : i32
    %dma_start3A_36 = arith.constant 0 : i32
    %dma_start3A_37 = tpu.memref_slice %arg7[%dma_start3A_35, %dma_start3A_36] : memref<512x128xf32, #tpu.memory_space<vmem>> -> memref<64x128xf32, #tpu.memory_space<vmem>>
    %dma_start3A_38 = arith.constant 192 : i32
    %dma_start3A_39 = tpu.memref_slice %arg6[%dma_start3A_38] : memref<512xi32, #tpu.memory_space<vmem>> -> memref<64xi32, #tpu.memory_space<vmem>>
    %dma_start3A_40 = arith.constant 0 : i32
    %dma_start3A_41 = arith.constant 0 : i32
    %dma_start3A_42 = tpu.memref_slice %arg5[%dma_start3A_40, %dma_start3A_41] : memref<1000x128xf32, #tpu.memory_space<vmem_shared>> -> memref<1000x128xf32, #tpu.memory_space<vmem_shared>>
    tpu.enqueue_indirect_dma source(%dma_start3A_42 : memref<1000x128xf32, #tpu.memory_space<vmem_shared>>) target(%dma_start3A_37 : memref<64x128xf32, #tpu.memory_space<vmem>>) offsets(%dma_start3A_39 : memref<64xi32, #tpu.memory_space<vmem>>) semaphore(%arg11 : memref<!tpu.dma_semaphore, #tpu.memory_space<semaphore_mem>>)
    %dma_start3A_43 = arith.constant 256 : i32
    %dma_start3A_44 = arith.constant 0 : i32
    %dma_start3A_45 = tpu.memref_slice %arg7[%dma_start3A_43, %dma_start3A_44] : memref<512x128xf32, #tpu.memory_space<vmem>> -> memref<64x128xf32, #tpu.memory_space<vmem>>
    %dma_start3A_46 = arith.constant 256 : i32
    %dma_start3A_47 = tpu.memref_slice %arg6[%dma_start3A_46] : memref<512xi32, #tpu.memory_space<vmem>> -> memref<64xi32, #tpu.memory_space<vmem>>
    %dma_start3A_48 = arith.constant 0 : i32
    %dma_start3A_49 = arith.constant 0 : i32
    %dma_start3A_50 = tpu.memref_slice %arg5[%dma_start3A_48, %dma_start3A_49] : memref<1000x128xf32, #tpu.memory_space<vmem_shared>> -> memref<1000x128xf32, #tpu.memory_space<vmem_shared>>
    tpu.enqueue_indirect_dma source(%dma_start3A_50 : memref<1000x128xf32, #tpu.memory_space<vmem_shared>>) target(%dma_start3A_45 : memref<64x128xf32, #tpu.memory_space<vmem>>) offsets(%dma_start3A_47 : memref<64xi32, #tpu.memory_space<vmem>>) semaphore(%arg12 : memref<!tpu.dma_semaphore, #tpu.memory_space<semaphore_mem>>)
    %dma_start3A_51 = arith.constant 320 : i32
    %dma_start3A_52 = arith.constant 0 : i32
    %dma_start3A_53 = tpu.memref_slice %arg7[%dma_start3A_51, %dma_start3A_52] : memref<512x128xf32, #tpu.memory_space<vmem>> -> memref<64x128xf32, #tpu.memory_space<vmem>>
    %dma_start3A_54 = arith.constant 320 : i32
    %dma_start3A_55 = tpu.memref_slice %arg6[%dma_start3A_54] : memref<512xi32, #tpu.memory_space<vmem>> -> memref<64xi32, #tpu.memory_space<vmem>>
    %dma_start3A_56 = arith.constant 0 : i32
    %dma_start3A_57 = arith.constant 0 : i32
    %dma_start3A_58 = tpu.memref_slice %arg5[%dma_start3A_56, %dma_start3A_57] : memref<1000x128xf32, #tpu.memory_space<vmem_shared>> -> memref<1000x128xf32, #tpu.memory_space<vmem_shared>>
    tpu.enqueue_indirect_dma source(%dma_start3A_58 : memref<1000x128xf32, #tpu.memory_space<vmem_shared>>) target(%dma_start3A_53 : memref<64x128xf32, #tpu.memory_space<vmem>>) offsets(%dma_start3A_55 : memref<64xi32, #tpu.memory_space<vmem>>) semaphore(%arg13 : memref<!tpu.dma_semaphore, #tpu.memory_space<semaphore_mem>>)
    %dma_start3A_59 = arith.constant 384 : i32
    %dma_start3A_60 = arith.constant 0 : i32
    %dma_start3A_61 = tpu.memref_slice %arg7[%dma_start3A_59, %dma_start3A_60] : memref<512x128xf32, #tpu.memory_space<vmem>> -> memref<64x128xf32, #tpu.memory_space<vmem>>
    %dma_start3A_62 = arith.constant 384 : i32
    %dma_start3A_63 = tpu.memref_slice %arg6[%dma_start3A_62] : memref<512xi32, #tpu.memory_space<vmem>> -> memref<64xi32, #tpu.memory_space<vmem>>
    %dma_start3A_64 = arith.constant 0 : i32
    %dma_start3A_65 = arith.constant 0 : i32
    %dma_start3A_66 = tpu.memref_slice %arg5[%dma_start3A_64, %dma_start3A_65] : memref<1000x128xf32, #tpu.memory_space<vmem_shared>> -> memref<1000x128xf32, #tpu.memory_space<vmem_shared>>
    tpu.enqueue_indirect_dma source(%dma_start3A_66 : memref<1000x128xf32, #tpu.memory_space<vmem_shared>>) target(%dma_start3A_61 : memref<64x128xf32, #tpu.memory_space<vmem>>) offsets(%dma_start3A_63 : memref<64xi32, #tpu.memory_space<vmem>>) semaphore(%arg14 : memref<!tpu.dma_semaphore, #tpu.memory_space<semaphore_mem>>)
    %dma_start3A_67 = arith.constant 448 : i32
    %dma_start3A_68 = arith.constant 0 : i32
    %dma_start3A_69 = tpu.memref_slice %arg7[%dma_start3A_67, %dma_start3A_68] : memref<512x128xf32, #tpu.memory_space<vmem>> -> memref<64x128xf32, #tpu.memory_space<vmem>>
    %dma_start3A_70 = arith.constant 448 : i32
    %dma_start3A_71 = tpu.memref_slice %arg6[%dma_start3A_70] : memref<512xi32, #tpu.memory_space<vmem>> -> memref<64xi32, #tpu.memory_space<vmem>>
    %dma_start3A_72 = arith.constant 0 : i32
    %dma_start3A_73 = arith.constant 0 : i32
    %dma_start3A_74 = tpu.memref_slice %arg5[%dma_start3A_72, %dma_start3A_73] : memref<1000x128xf32, #tpu.memory_space<vmem_shared>> -> memref<1000x128xf32, #tpu.memory_space<vmem_shared>>
    tpu.enqueue_indirect_dma source(%dma_start3A_74 : memref<1000x128xf32, #tpu.memory_space<vmem_shared>>) target(%dma_start3A_69 : memref<64x128xf32, #tpu.memory_space<vmem>>) offsets(%dma_start3A_71 : memref<64xi32, #tpu.memory_space<vmem>>) semaphore(%arg15 : memref<!tpu.dma_semaphore, #tpu.memory_space<semaphore_mem>>)
    %dma_wait3A_75 = arith.constant 0 : i32
    %dma_wait3A_76 = arith.constant 0 : i32
    %dma_wait3A_77 = tpu.memref_slice %arg7[%dma_wait3A_75, %dma_wait3A_76] : memref<512x128xf32, #tpu.memory_space<vmem>> -> memref<64x128xf32, #tpu.memory_space<vmem>>
    %dma_wait3A_78 = arith.constant 0 : i32
    %dma_wait3A_79 = tpu.memref_slice %arg6[%dma_wait3A_78] : memref<512xi32, #tpu.memory_space<vmem>> -> memref<64xi32, #tpu.memory_space<vmem>>
    %dma_wait3A_80 = arith.constant 0 : i32
    %dma_wait3A_81 = arith.constant 0 : i32
    %dma_wait3A_82 = tpu.memref_slice %arg5[%dma_wait3A_80, %dma_wait3A_81] : memref<1000x128xf32, #tpu.memory_space<vmem_shared>> -> memref<1000x128xf32, #tpu.memory_space<vmem_shared>>
    tpu.wait_indirect_dma semaphore(%arg8 : memref<!tpu.dma_semaphore, #tpu.memory_space<semaphore_mem>>) src(%dma_wait3A_82 : memref<1000x128xf32, #tpu.memory_space<vmem_shared>>) dst(%dma_wait3A_77 : memref<64x128xf32, #tpu.memory_space<vmem>>)
    %add3A_83 = arith.constant 0 : i32
    %add3A_84 = arith.addi %mul3A_2, %add3A_83 : i32
    %dma_start3A_85 = arith.constant 0 : i32
    %dma_start3A_86 = arith.constant 0 : i32
    %dma_start3A_87 = tpu.memref_slice %arg7[%dma_start3A_85, %dma_start3A_86] : memref<512x128xf32, #tpu.memory_space<vmem>> -> memref<64x128xf32, #tpu.memory_space<vmem>>
    %dma_start3A_88 = arith.constant 0 : i32
    %dma_start3A_89 = tpu.memref_slice %arg4[%add3A_84, %dma_start3A_88] : memref<16384x128xf32, #tpu.memory_space<hbm>> -> memref<64x128xf32, #tpu.memory_space<hbm>>
    %dma_start3A_90 = arith.constant 0 : i32
    %dma_start3A_91 = tpu.memref_slice %arg4[%add3A_84, %dma_start3A_90] : memref<16384x128xf32, #tpu.memory_space<hbm>> -> memref<64x128xf32, #tpu.memory_space<hbm>>
    %dma_start3A_92 = arith.constant 0 : i32
    %dma_start3A_93 = arith.constant 0 : i32
    %dma_start3A_94 = tpu.memref_slice %arg7[%dma_start3A_92, %dma_start3A_93] : memref<512x128xf32, #tpu.memory_space<vmem>> -> memref<64x128xf32, #tpu.memory_space<vmem>>
    tpu.enqueue_dma source(%dma_start3A_94 : memref<64x128xf32, #tpu.memory_space<vmem>>) target(%dma_start3A_91 : memref<64x128xf32, #tpu.memory_space<hbm>>) target_semaphore(%arg16 : memref<!tpu.dma_semaphore, #tpu.memory_space<semaphore_mem>>)
    %dma_wait3A_95 = arith.constant 64 : i32
    %dma_wait3A_96 = arith.constant 0 : i32
    %dma_wait3A_97 = tpu.memref_slice %arg7[%dma_wait3A_95, %dma_wait3A_96] : memref<512x128xf32, #tpu.memory_space<vmem>> -> memref<64x128xf32, #tpu.memory_space<vmem>>
    %dma_wait3A_98 = arith.constant 64 : i32
    %dma_wait3A_99 = tpu.memref_slice %arg6[%dma_wait3A_98] : memref<512xi32, #tpu.memory_space<vmem>> -> memref<64xi32, #tpu.memory_space<vmem>>
    %dma_wait3A_100 = arith.constant 0 : i32
    %dma_wait3A_101 = arith.constant 0 : i32
    %dma_wait3A_102 = tpu.memref_slice %arg5[%dma_wait3A_100, %dma_wait3A_101] : memref<1000x128xf32, #tpu.memory_space<vmem_shared>> -> memref<1000x128xf32, #tpu.memory_space<vmem_shared>>
    tpu.wait_indirect_dma semaphore(%arg9 : memref<!tpu.dma_semaphore, #tpu.memory_space<semaphore_mem>>) src(%dma_wait3A_102 : memref<1000x128xf32, #tpu.memory_space<vmem_shared>>) dst(%dma_wait3A_97 : memref<64x128xf32, #tpu.memory_space<vmem>>)
    %add3A_103 = arith.constant 64 : i32
    %add3A_104 = arith.addi %mul3A_2, %add3A_103 : i32
    %dma_start3A_105 = arith.constant 64 : i32
    %dma_start3A_106 = arith.constant 0 : i32
    %dma_start3A_107 = tpu.memref_slice %arg7[%dma_start3A_105, %dma_start3A_106] : memref<512x128xf32, #tpu.memory_space<vmem>> -> memref<64x128xf32, #tpu.memory_space<vmem>>
    %dma_start3A_108 = arith.constant 0 : i32
    %dma_start3A_109 = tpu.memref_slice %arg4[%add3A_104, %dma_start3A_108] : memref<16384x128xf32, #tpu.memory_space<hbm>> -> memref<64x128xf32, #tpu.memory_space<hbm>>
    %dma_start3A_110 = arith.constant 0 : i32
    %dma_start3A_111 = tpu.memref_slice %arg4[%add3A_104, %dma_start3A_110] : memref<16384x128xf32, #tpu.memory_space<hbm>> -> memref<64x128xf32, #tpu.memory_space<hbm>>
    %dma_start3A_112 = arith.constant 64 : i32
    %dma_start3A_113 = arith.constant 0 : i32
    %dma_start3A_114 = tpu.memref_slice %arg7[%dma_start3A_112, %dma_start3A_113] : memref<512x128xf32, #tpu.memory_space<vmem>> -> memref<64x128xf32, #tpu.memory_space<vmem>>
    tpu.enqueue_dma source(%dma_start3A_114 : memref<64x128xf32, #tpu.memory_space<vmem>>) target(%dma_start3A_111 : memref<64x128xf32, #tpu.memory_space<hbm>>) target_semaphore(%arg16 : memref<!tpu.dma_semaphore, #tpu.memory_space<semaphore_mem>>)
    %dma_wait3A_115 = arith.constant 128 : i32
    %dma_wait3A_116 = arith.constant 0 : i32
    %dma_wait3A_117 = tpu.memref_slice %arg7[%dma_wait3A_115, %dma_wait3A_116] : memref<512x128xf32, #tpu.memory_space<vmem>> -> memref<64x128xf32, #tpu.memory_space<vmem>>
    %dma_wait3A_118 = arith.constant 128 : i32
    %dma_wait3A_119 = tpu.memref_slice %arg6[%dma_wait3A_118] : memref<512xi32, #tpu.memory_space<vmem>> -> memref<64xi32, #tpu.memory_space<vmem>>
    %dma_wait3A_120 = arith.constant 0 : i32
    %dma_wait3A_121 = arith.constant 0 : i32
    %dma_wait3A_122 = tpu.memref_slice %arg5[%dma_wait3A_120, %dma_wait3A_121] : memref<1000x128xf32, #tpu.memory_space<vmem_shared>> -> memref<1000x128xf32, #tpu.memory_space<vmem_shared>>
    tpu.wait_indirect_dma semaphore(%arg10 : memref<!tpu.dma_semaphore, #tpu.memory_space<semaphore_mem>>) src(%dma_wait3A_122 : memref<1000x128xf32, #tpu.memory_space<vmem_shared>>) dst(%dma_wait3A_117 : memref<64x128xf32, #tpu.memory_space<vmem>>)
    %add3A_123 = arith.constant 128 : i32
    %add3A_124 = arith.addi %mul3A_2, %add3A_123 : i32
    %dma_start3A_125 = arith.constant 128 : i32
    %dma_start3A_126 = arith.constant 0 : i32
    %dma_start3A_127 = tpu.memref_slice %arg7[%dma_start3A_125, %dma_start3A_126] : memref<512x128xf32, #tpu.memory_space<vmem>> -> memref<64x128xf32, #tpu.memory_space<vmem>>
    %dma_start3A_128 = arith.constant 0 : i32
    %dma_start3A_129 = tpu.memref_slice %arg4[%add3A_124, %dma_start3A_128] : memref<16384x128xf32, #tpu.memory_space<hbm>> -> memref<64x128xf32, #tpu.memory_space<hbm>>
    %dma_start3A_130 = arith.constant 0 : i32
    %dma_start3A_131 = tpu.memref_slice %arg4[%add3A_124, %dma_start3A_130] : memref<16384x128xf32, #tpu.memory_space<hbm>> -> memref<64x128xf32, #tpu.memory_space<hbm>>
    %dma_start3A_132 = arith.constant 128 : i32
    %dma_start3A_133 = arith.constant 0 : i32
    %dma_start3A_134 = tpu.memref_slice %arg7[%dma_start3A_132, %dma_start3A_133] : memref<512x128xf32, #tpu.memory_space<vmem>> -> memref<64x128xf32, #tpu.memory_space<vmem>>
    tpu.enqueue_dma source(%dma_start3A_134 : memref<64x128xf32, #tpu.memory_space<vmem>>) target(%dma_start3A_131 : memref<64x128xf32, #tpu.memory_space<hbm>>) target_semaphore(%arg16 : memref<!tpu.dma_semaphore, #tpu.memory_space<semaphore_mem>>)
    %dma_wait3A_135 = arith.constant 192 : i32
    %dma_wait3A_136 = arith.constant 0 : i32
    %dma_wait3A_137 = tpu.memref_slice %arg7[%dma_wait3A_135, %dma_wait3A_136] : memref<512x128xf32, #tpu.memory_space<vmem>> -> memref<64x128xf32, #tpu.memory_space<vmem>>
    %dma_wait3A_138 = arith.constant 192 : i32
    %dma_wait3A_139 = tpu.memref_slice %arg6[%dma_wait3A_138] : memref<512xi32, #tpu.memory_space<vmem>> -> memref<64xi32, #tpu.memory_space<vmem>>
    %dma_wait3A_140 = arith.constant 0 : i32
    %dma_wait3A_141 = arith.constant 0 : i32
    %dma_wait3A_142 = tpu.memref_slice %arg5[%dma_wait3A_140, %dma_wait3A_141] : memref<1000x128xf32, #tpu.memory_space<vmem_shared>> -> memref<1000x128xf32, #tpu.memory_space<vmem_shared>>
    tpu.wait_indirect_dma semaphore(%arg11 : memref<!tpu.dma_semaphore, #tpu.memory_space<semaphore_mem>>) src(%dma_wait3A_142 : memref<1000x128xf32, #tpu.memory_space<vmem_shared>>) dst(%dma_wait3A_137 : memref<64x128xf32, #tpu.memory_space<vmem>>)
    %add3A_143 = arith.constant 192 : i32
    %add3A_144 = arith.addi %mul3A_2, %add3A_143 : i32
    %dma_start3A_145 = arith.constant 192 : i32
    %dma_start3A_146 = arith.constant 0 : i32
    %dma_start3A_147 = tpu.memref_slice %arg7[%dma_start3A_145, %dma_start3A_146] : memref<512x128xf32, #tpu.memory_space<vmem>> -> memref<64x128xf32, #tpu.memory_space<vmem>>
    %dma_start3A_148 = arith.constant 0 : i32
    %dma_start3A_149 = tpu.memref_slice %arg4[%add3A_144, %dma_start3A_148] : memref<16384x128xf32, #tpu.memory_space<hbm>> -> memref<64x128xf32, #tpu.memory_space<hbm>>
    %dma_start3A_150 = arith.constant 0 : i32
    %dma_start3A_151 = tpu.memref_slice %arg4[%add3A_144, %dma_start3A_150] : memref<16384x128xf32, #tpu.memory_space<hbm>> -> memref<64x128xf32, #tpu.memory_space<hbm>>
    %dma_start3A_152 = arith.constant 192 : i32
    %dma_start3A_153 = arith.constant 0 : i32
    %dma_start3A_154 = tpu.memref_slice %arg7[%dma_start3A_152, %dma_start3A_153] : memref<512x128xf32, #tpu.memory_space<vmem>> -> memref<64x128xf32, #tpu.memory_space<vmem>>
    tpu.enqueue_dma source(%dma_start3A_154 : memref<64x128xf32, #tpu.memory_space<vmem>>) target(%dma_start3A_151 : memref<64x128xf32, #tpu.memory_space<hbm>>) target_semaphore(%arg16 : memref<!tpu.dma_semaphore, #tpu.memory_space<semaphore_mem>>)
    %dma_wait3A_155 = arith.constant 256 : i32
    %dma_wait3A_156 = arith.constant 0 : i32
    %dma_wait3A_157 = tpu.memref_slice %arg7[%dma_wait3A_155, %dma_wait3A_156] : memref<512x128xf32, #tpu.memory_space<vmem>> -> memref<64x128xf32, #tpu.memory_space<vmem>>
    %dma_wait3A_158 = arith.constant 256 : i32
    %dma_wait3A_159 = tpu.memref_slice %arg6[%dma_wait3A_158] : memref<512xi32, #tpu.memory_space<vmem>> -> memref<64xi32, #tpu.memory_space<vmem>>
    %dma_wait3A_160 = arith.constant 0 : i32
    %dma_wait3A_161 = arith.constant 0 : i32
    %dma_wait3A_162 = tpu.memref_slice %arg5[%dma_wait3A_160, %dma_wait3A_161] : memref<1000x128xf32, #tpu.memory_space<vmem_shared>> -> memref<1000x128xf32, #tpu.memory_space<vmem_shared>>
    tpu.wait_indirect_dma semaphore(%arg12 : memref<!tpu.dma_semaphore, #tpu.memory_space<semaphore_mem>>) src(%dma_wait3A_162 : memref<1000x128xf32, #tpu.memory_space<vmem_shared>>) dst(%dma_wait3A_157 : memref<64x128xf32, #tpu.memory_space<vmem>>)
    %add3A_163 = arith.constant 256 : i32
    %add3A_164 = arith.addi %mul3A_2, %add3A_163 : i32
    %dma_start3A_165 = arith.constant 256 : i32
    %dma_start3A_166 = arith.constant 0 : i32
    %dma_start3A_167 = tpu.memref_slice %arg7[%dma_start3A_165, %dma_start3A_166] : memref<512x128xf32, #tpu.memory_space<vmem>> -> memref<64x128xf32, #tpu.memory_space<vmem>>
    %dma_start3A_168 = arith.constant 0 : i32
    %dma_start3A_169 = tpu.memref_slice %arg4[%add3A_164, %dma_start3A_168] : memref<16384x128xf32, #tpu.memory_space<hbm>> -> memref<64x128xf32, #tpu.memory_space<hbm>>
    %dma_start3A_170 = arith.constant 0 : i32
    %dma_start3A_171 = tpu.memref_slice %arg4[%add3A_164, %dma_start3A_170] : memref<16384x128xf32, #tpu.memory_space<hbm>> -> memref<64x128xf32, #tpu.memory_space<hbm>>
    %dma_start3A_172 = arith.constant 256 : i32
    %dma_start3A_173 = arith.constant 0 : i32
    %dma_start3A_174 = tpu.memref_slice %arg7[%dma_start3A_172, %dma_start3A_173] : memref<512x128xf32, #tpu.memory_space<vmem>> -> memref<64x128xf32, #tpu.memory_space<vmem>>
    tpu.enqueue_dma source(%dma_start3A_174 : memref<64x128xf32, #tpu.memory_space<vmem>>) target(%dma_start3A_171 : memref<64x128xf32, #tpu.memory_space<hbm>>) target_semaphore(%arg16 : memref<!tpu.dma_semaphore, #tpu.memory_space<semaphore_mem>>)
    %dma_wait3A_175 = arith.constant 320 : i32
    %dma_wait3A_176 = arith.constant 0 : i32
    %dma_wait3A_177 = tpu.memref_slice %arg7[%dma_wait3A_175, %dma_wait3A_176] : memref<512x128xf32, #tpu.memory_space<vmem>> -> memref<64x128xf32, #tpu.memory_space<vmem>>
    %dma_wait3A_178 = arith.constant 320 : i32
    %dma_wait3A_179 = tpu.memref_slice %arg6[%dma_wait3A_178] : memref<512xi32, #tpu.memory_space<vmem>> -> memref<64xi32, #tpu.memory_space<vmem>>
    %dma_wait3A_180 = arith.constant 0 : i32
    %dma_wait3A_181 = arith.constant 0 : i32
    %dma_wait3A_182 = tpu.memref_slice %arg5[%dma_wait3A_180, %dma_wait3A_181] : memref<1000x128xf32, #tpu.memory_space<vmem_shared>> -> memref<1000x128xf32, #tpu.memory_space<vmem_shared>>
    tpu.wait_indirect_dma semaphore(%arg13 : memref<!tpu.dma_semaphore, #tpu.memory_space<semaphore_mem>>) src(%dma_wait3A_182 : memref<1000x128xf32, #tpu.memory_space<vmem_shared>>) dst(%dma_wait3A_177 : memref<64x128xf32, #tpu.memory_space<vmem>>)
    %add3A_183 = arith.constant 320 : i32
    %add3A_184 = arith.addi %mul3A_2, %add3A_183 : i32
    %dma_start3A_185 = arith.constant 320 : i32
    %dma_start3A_186 = arith.constant 0 : i32
    %dma_start3A_187 = tpu.memref_slice %arg7[%dma_start3A_185, %dma_start3A_186] : memref<512x128xf32, #tpu.memory_space<vmem>> -> memref<64x128xf32, #tpu.memory_space<vmem>>
    %dma_start3A_188 = arith.constant 0 : i32
    %dma_start3A_189 = tpu.memref_slice %arg4[%add3A_184, %dma_start3A_188] : memref<16384x128xf32, #tpu.memory_space<hbm>> -> memref<64x128xf32, #tpu.memory_space<hbm>>
    %dma_start3A_190 = arith.constant 0 : i32
    %dma_start3A_191 = tpu.memref_slice %arg4[%add3A_184, %dma_start3A_190] : memref<16384x128xf32, #tpu.memory_space<hbm>> -> memref<64x128xf32, #tpu.memory_space<hbm>>
    %dma_start3A_192 = arith.constant 320 : i32
    %dma_start3A_193 = arith.constant 0 : i32
    %dma_start3A_194 = tpu.memref_slice %arg7[%dma_start3A_192, %dma_start3A_193] : memref<512x128xf32, #tpu.memory_space<vmem>> -> memref<64x128xf32, #tpu.memory_space<vmem>>
    tpu.enqueue_dma source(%dma_start3A_194 : memref<64x128xf32, #tpu.memory_space<vmem>>) target(%dma_start3A_191 : memref<64x128xf32, #tpu.memory_space<hbm>>) target_semaphore(%arg16 : memref<!tpu.dma_semaphore, #tpu.memory_space<semaphore_mem>>)
    %dma_wait3A_195 = arith.constant 384 : i32
    %dma_wait3A_196 = arith.constant 0 : i32
    %dma_wait3A_197 = tpu.memref_slice %arg7[%dma_wait3A_195, %dma_wait3A_196] : memref<512x128xf32, #tpu.memory_space<vmem>> -> memref<64x128xf32, #tpu.memory_space<vmem>>
    %dma_wait3A_198 = arith.constant 384 : i32
    %dma_wait3A_199 = tpu.memref_slice %arg6[%dma_wait3A_198] : memref<512xi32, #tpu.memory_space<vmem>> -> memref<64xi32, #tpu.memory_space<vmem>>
    %dma_wait3A_200 = arith.constant 0 : i32
    %dma_wait3A_201 = arith.constant 0 : i32
    %dma_wait3A_202 = tpu.memref_slice %arg5[%dma_wait3A_200, %dma_wait3A_201] : memref<1000x128xf32, #tpu.memory_space<vmem_shared>> -> memref<1000x128xf32, #tpu.memory_space<vmem_shared>>
    tpu.wait_indirect_dma semaphore(%arg14 : memref<!tpu.dma_semaphore, #tpu.memory_space<semaphore_mem>>) src(%dma_wait3A_202 : memref<1000x128xf32, #tpu.memory_space<vmem_shared>>) dst(%dma_wait3A_197 : memref<64x128xf32, #tpu.memory_space<vmem>>)
    %add3A_203 = arith.constant 384 : i32
    %add3A_204 = arith.addi %mul3A_2, %add3A_203 : i32
    %dma_start3A_205 = arith.constant 384 : i32
    %dma_start3A_206 = arith.constant 0 : i32
    %dma_start3A_207 = tpu.memref_slice %arg7[%dma_start3A_205, %dma_start3A_206] : memref<512x128xf32, #tpu.memory_space<vmem>> -> memref<64x128xf32, #tpu.memory_space<vmem>>
    %dma_start3A_208 = arith.constant 0 : i32
    %dma_start3A_209 = tpu.memref_slice %arg4[%add3A_204, %dma_start3A_208] : memref<16384x128xf32, #tpu.memory_space<hbm>> -> memref<64x128xf32, #tpu.memory_space<hbm>>
    %dma_start3A_210 = arith.constant 0 : i32
    %dma_start3A_211 = tpu.memref_slice %arg4[%add3A_204, %dma_start3A_210] : memref<16384x128xf32, #tpu.memory_space<hbm>> -> memref<64x128xf32, #tpu.memory_space<hbm>>
    %dma_start3A_212 = arith.constant 384 : i32
    %dma_start3A_213 = arith.constant 0 : i32
    %dma_start3A_214 = tpu.memref_slice %arg7[%dma_start3A_212, %dma_start3A_213] : memref<512x128xf32, #tpu.memory_space<vmem>> -> memref<64x128xf32, #tpu.memory_space<vmem>>
    tpu.enqueue_dma source(%dma_start3A_214 : memref<64x128xf32, #tpu.memory_space<vmem>>) target(%dma_start3A_211 : memref<64x128xf32, #tpu.memory_space<hbm>>) target_semaphore(%arg16 : memref<!tpu.dma_semaphore, #tpu.memory_space<semaphore_mem>>)
    %dma_wait3A_215 = arith.constant 448 : i32
    %dma_wait3A_216 = arith.constant 0 : i32
    %dma_wait3A_217 = tpu.memref_slice %arg7[%dma_wait3A_215, %dma_wait3A_216] : memref<512x128xf32, #tpu.memory_space<vmem>> -> memref<64x128xf32, #tpu.memory_space<vmem>>
    %dma_wait3A_218 = arith.constant 448 : i32
    %dma_wait3A_219 = tpu.memref_slice %arg6[%dma_wait3A_218] : memref<512xi32, #tpu.memory_space<vmem>> -> memref<64xi32, #tpu.memory_space<vmem>>
    %dma_wait3A_220 = arith.constant 0 : i32
    %dma_wait3A_221 = arith.constant 0 : i32
    %dma_wait3A_222 = tpu.memref_slice %arg5[%dma_wait3A_220, %dma_wait3A_221] : memref<1000x128xf32, #tpu.memory_space<vmem_shared>> -> memref<1000x128xf32, #tpu.memory_space<vmem_shared>>
    tpu.wait_indirect_dma semaphore(%arg15 : memref<!tpu.dma_semaphore, #tpu.memory_space<semaphore_mem>>) src(%dma_wait3A_222 : memref<1000x128xf32, #tpu.memory_space<vmem_shared>>) dst(%dma_wait3A_217 : memref<64x128xf32, #tpu.memory_space<vmem>>)
    %add3A_223 = arith.constant 448 : i32
    %add3A_224 = arith.addi %mul3A_2, %add3A_223 : i32
    %dma_start3A_225 = arith.constant 448 : i32
    %dma_start3A_226 = arith.constant 0 : i32
    %dma_start3A_227 = tpu.memref_slice %arg7[%dma_start3A_225, %dma_start3A_226] : memref<512x128xf32, #tpu.memory_space<vmem>> -> memref<64x128xf32, #tpu.memory_space<vmem>>
    %dma_start3A_228 = arith.constant 0 : i32
    %dma_start3A_229 = tpu.memref_slice %arg4[%add3A_224, %dma_start3A_228] : memref<16384x128xf32, #tpu.memory_space<hbm>> -> memref<64x128xf32, #tpu.memory_space<hbm>>
    %dma_start3A_230 = arith.constant 0 : i32
    %dma_start3A_231 = tpu.memref_slice %arg4[%add3A_224, %dma_start3A_230] : memref<16384x128xf32, #tpu.memory_space<hbm>> -> memref<64x128xf32, #tpu.memory_space<hbm>>
    %dma_start3A_232 = arith.constant 448 : i32
    %dma_start3A_233 = arith.constant 0 : i32
    %dma_start3A_234 = tpu.memref_slice %arg7[%dma_start3A_232, %dma_start3A_233] : memref<512x128xf32, #tpu.memory_space<vmem>> -> memref<64x128xf32, #tpu.memory_space<vmem>>
    tpu.enqueue_dma source(%dma_start3A_234 : memref<64x128xf32, #tpu.memory_space<vmem>>) target(%dma_start3A_231 : memref<64x128xf32, #tpu.memory_space<hbm>>) target_semaphore(%arg16 : memref<!tpu.dma_semaphore, #tpu.memory_space<semaphore_mem>>)
    %dma_wait3A_235 = arith.constant 0 : i32
    %dma_wait3A_236 = arith.constant 0 : i32
    %dma_wait3A_237 = tpu.memref_slice %arg7[%dma_wait3A_235, %dma_wait3A_236] : memref<512x128xf32, #tpu.memory_space<vmem>> -> memref<64x128xf32, #tpu.memory_space<vmem>>
    %dma_wait3A_238 = arith.constant 0 : i32
    %dma_wait3A_239 = tpu.memref_slice %arg4[%add3A_84, %dma_wait3A_238] : memref<16384x128xf32, #tpu.memory_space<hbm>> -> memref<64x128xf32, #tpu.memory_space<hbm>>
    %dma_wait3A_240 = arith.constant 0 : i32
    %dma_wait3A_241 = tpu.memref_slice %arg4[%add3A_84, %dma_wait3A_240] : memref<16384x128xf32, #tpu.memory_space<hbm>> -> memref<64x128xf32, #tpu.memory_space<hbm>>
    %dma_wait3A_242 = arith.constant 0 : i32
    %dma_wait3A_243 = arith.constant 0 : i32
    %dma_wait3A_244 = tpu.memref_slice %arg7[%dma_wait3A_242, %dma_wait3A_243] : memref<512x128xf32, #tpu.memory_space<vmem>> -> memref<64x128xf32, #tpu.memory_space<vmem>>
    tpu.wait_dma2 semaphore(%arg16 : memref<!tpu.dma_semaphore, #tpu.memory_space<semaphore_mem>>) src(%dma_wait3A_244 : memref<64x128xf32, #tpu.memory_space<vmem>>) dst(%dma_wait3A_241 : memref<64x128xf32, #tpu.memory_space<hbm>>)
    %dma_wait3A_245 = arith.constant 64 : i32
    %dma_wait3A_246 = arith.constant 0 : i32
    %dma_wait3A_247 = tpu.memref_slice %arg7[%dma_wait3A_245, %dma_wait3A_246] : memref<512x128xf32, #tpu.memory_space<vmem>> -> memref<64x128xf32, #tpu.memory_space<vmem>>
    %dma_wait3A_248 = arith.constant 0 : i32
    %dma_wait3A_249 = tpu.memref_slice %arg4[%add3A_104, %dma_wait3A_248] : memref<16384x128xf32, #tpu.memory_space<hbm>> -> memref<64x128xf32, #tpu.memory_space<hbm>>
    %dma_wait3A_250 = arith.constant 0 : i32
    %dma_wait3A_251 = tpu.memref_slice %arg4[%add3A_104, %dma_wait3A_250] : memref<16384x128xf32, #tpu.memory_space<hbm>> -> memref<64x128xf32, #tpu.memory_space<hbm>>
    %dma_wait3A_252 = arith.constant 64 : i32
    %dma_wait3A_253 = arith.constant 0 : i32
    %dma_wait3A_254 = tpu.memref_slice %arg7[%dma_wait3A_252, %dma_wait3A_253] : memref<512x128xf32, #tpu.memory_space<vmem>> -> memref<64x128xf32, #tpu.memory_space<vmem>>
    tpu.wait_dma2 semaphore(%arg16 : memref<!tpu.dma_semaphore, #tpu.memory_space<semaphore_mem>>) src(%dma_wait3A_254 : memref<64x128xf32, #tpu.memory_space<vmem>>) dst(%dma_wait3A_251 : memref<64x128xf32, #tpu.memory_space<hbm>>)
    %dma_wait3A_255 = arith.constant 128 : i32
    %dma_wait3A_256 = arith.constant 0 : i32
    %dma_wait3A_257 = tpu.memref_slice %arg7[%dma_wait3A_255, %dma_wait3A_256] : memref<512x128xf32, #tpu.memory_space<vmem>> -> memref<64x128xf32, #tpu.memory_space<vmem>>
    %dma_wait3A_258 = arith.constant 0 : i32
    %dma_wait3A_259 = tpu.memref_slice %arg4[%add3A_124, %dma_wait3A_258] : memref<16384x128xf32, #tpu.memory_space<hbm>> -> memref<64x128xf32, #tpu.memory_space<hbm>>
    %dma_wait3A_260 = arith.constant 0 : i32
    %dma_wait3A_261 = tpu.memref_slice %arg4[%add3A_124, %dma_wait3A_260] : memref<16384x128xf32, #tpu.memory_space<hbm>> -> memref<64x128xf32, #tpu.memory_space<hbm>>
    %dma_wait3A_262 = arith.constant 128 : i32
    %dma_wait3A_263 = arith.constant 0 : i32
    %dma_wait3A_264 = tpu.memref_slice %arg7[%dma_wait3A_262, %dma_wait3A_263] : memref<512x128xf32, #tpu.memory_space<vmem>> -> memref<64x128xf32, #tpu.memory_space<vmem>>
    tpu.wait_dma2 semaphore(%arg16 : memref<!tpu.dma_semaphore, #tpu.memory_space<semaphore_mem>>) src(%dma_wait3A_264 : memref<64x128xf32, #tpu.memory_space<vmem>>) dst(%dma_wait3A_261 : memref<64x128xf32, #tpu.memory_space<hbm>>)
    %dma_wait3A_265 = arith.constant 192 : i32
    %dma_wait3A_266 = arith.constant 0 : i32
    %dma_wait3A_267 = tpu.memref_slice %arg7[%dma_wait3A_265, %dma_wait3A_266] : memref<512x128xf32, #tpu.memory_space<vmem>> -> memref<64x128xf32, #tpu.memory_space<vmem>>
    %dma_wait3A_268 = arith.constant 0 : i32
    %dma_wait3A_269 = tpu.memref_slice %arg4[%add3A_144, %dma_wait3A_268] : memref<16384x128xf32, #tpu.memory_space<hbm>> -> memref<64x128xf32, #tpu.memory_space<hbm>>
    %dma_wait3A_270 = arith.constant 0 : i32
    %dma_wait3A_271 = tpu.memref_slice %arg4[%add3A_144, %dma_wait3A_270] : memref<16384x128xf32, #tpu.memory_space<hbm>> -> memref<64x128xf32, #tpu.memory_space<hbm>>
    %dma_wait3A_272 = arith.constant 192 : i32
    %dma_wait3A_273 = arith.constant 0 : i32
    %dma_wait3A_274 = tpu.memref_slice %arg7[%dma_wait3A_272, %dma_wait3A_273] : memref<512x128xf32, #tpu.memory_space<vmem>> -> memref<64x128xf32, #tpu.memory_space<vmem>>
    tpu.wait_dma2 semaphore(%arg16 : memref<!tpu.dma_semaphore, #tpu.memory_space<semaphore_mem>>) src(%dma_wait3A_274 : memref<64x128xf32, #tpu.memory_space<vmem>>) dst(%dma_wait3A_271 : memref<64x128xf32, #tpu.memory_space<hbm>>)
    %dma_wait3A_275 = arith.constant 256 : i32
    %dma_wait3A_276 = arith.constant 0 : i32
    %dma_wait3A_277 = tpu.memref_slice %arg7[%dma_wait3A_275, %dma_wait3A_276] : memref<512x128xf32, #tpu.memory_space<vmem>> -> memref<64x128xf32, #tpu.memory_space<vmem>>
    %dma_wait3A_278 = arith.constant 0 : i32
    %dma_wait3A_279 = tpu.memref_slice %arg4[%add3A_164, %dma_wait3A_278] : memref<16384x128xf32, #tpu.memory_space<hbm>> -> memref<64x128xf32, #tpu.memory_space<hbm>>
    %dma_wait3A_280 = arith.constant 0 : i32
    %dma_wait3A_281 = tpu.memref_slice %arg4[%add3A_164, %dma_wait3A_280] : memref<16384x128xf32, #tpu.memory_space<hbm>> -> memref<64x128xf32, #tpu.memory_space<hbm>>
    %dma_wait3A_282 = arith.constant 256 : i32
    %dma_wait3A_283 = arith.constant 0 : i32
    %dma_wait3A_284 = tpu.memref_slice %arg7[%dma_wait3A_282, %dma_wait3A_283] : memref<512x128xf32, #tpu.memory_space<vmem>> -> memref<64x128xf32, #tpu.memory_space<vmem>>
    tpu.wait_dma2 semaphore(%arg16 : memref<!tpu.dma_semaphore, #tpu.memory_space<semaphore_mem>>) src(%dma_wait3A_284 : memref<64x128xf32, #tpu.memory_space<vmem>>) dst(%dma_wait3A_281 : memref<64x128xf32, #tpu.memory_space<hbm>>)
    %dma_wait3A_285 = arith.constant 320 : i32
    %dma_wait3A_286 = arith.constant 0 : i32
    %dma_wait3A_287 = tpu.memref_slice %arg7[%dma_wait3A_285, %dma_wait3A_286] : memref<512x128xf32, #tpu.memory_space<vmem>> -> memref<64x128xf32, #tpu.memory_space<vmem>>
    %dma_wait3A_288 = arith.constant 0 : i32
    %dma_wait3A_289 = tpu.memref_slice %arg4[%add3A_184, %dma_wait3A_288] : memref<16384x128xf32, #tpu.memory_space<hbm>> -> memref<64x128xf32, #tpu.memory_space<hbm>>
    %dma_wait3A_290 = arith.constant 0 : i32
    %dma_wait3A_291 = tpu.memref_slice %arg4[%add3A_184, %dma_wait3A_290] : memref<16384x128xf32, #tpu.memory_space<hbm>> -> memref<64x128xf32, #tpu.memory_space<hbm>>
    %dma_wait3A_292 = arith.constant 320 : i32
    %dma_wait3A_293 = arith.constant 0 : i32
    %dma_wait3A_294 = tpu.memref_slice %arg7[%dma_wait3A_292, %dma_wait3A_293] : memref<512x128xf32, #tpu.memory_space<vmem>> -> memref<64x128xf32, #tpu.memory_space<vmem>>
    tpu.wait_dma2 semaphore(%arg16 : memref<!tpu.dma_semaphore, #tpu.memory_space<semaphore_mem>>) src(%dma_wait3A_294 : memref<64x128xf32, #tpu.memory_space<vmem>>) dst(%dma_wait3A_291 : memref<64x128xf32, #tpu.memory_space<hbm>>)
    %dma_wait3A_295 = arith.constant 384 : i32
    %dma_wait3A_296 = arith.constant 0 : i32
    %dma_wait3A_297 = tpu.memref_slice %arg7[%dma_wait3A_295, %dma_wait3A_296] : memref<512x128xf32, #tpu.memory_space<vmem>> -> memref<64x128xf32, #tpu.memory_space<vmem>>
    %dma_wait3A_298 = arith.constant 0 : i32
    %dma_wait3A_299 = tpu.memref_slice %arg4[%add3A_204, %dma_wait3A_298] : memref<16384x128xf32, #tpu.memory_space<hbm>> -> memref<64x128xf32, #tpu.memory_space<hbm>>
    %dma_wait3A_300 = arith.constant 0 : i32
    %dma_wait3A_301 = tpu.memref_slice %arg4[%add3A_204, %dma_wait3A_300] : memref<16384x128xf32, #tpu.memory_space<hbm>> -> memref<64x128xf32, #tpu.memory_space<hbm>>
    %dma_wait3A_302 = arith.constant 384 : i32
    %dma_wait3A_303 = arith.constant 0 : i32
    %dma_wait3A_304 = tpu.memref_slice %arg7[%dma_wait3A_302, %dma_wait3A_303] : memref<512x128xf32, #tpu.memory_space<vmem>> -> memref<64x128xf32, #tpu.memory_space<vmem>>
    tpu.wait_dma2 semaphore(%arg16 : memref<!tpu.dma_semaphore, #tpu.memory_space<semaphore_mem>>) src(%dma_wait3A_304 : memref<64x128xf32, #tpu.memory_space<vmem>>) dst(%dma_wait3A_301 : memref<64x128xf32, #tpu.memory_space<hbm>>)
    %dma_wait3A_305 = arith.constant 448 : i32
    %dma_wait3A_306 = arith.constant 0 : i32
    %dma_wait3A_307 = tpu.memref_slice %arg7[%dma_wait3A_305, %dma_wait3A_306] : memref<512x128xf32, #tpu.memory_space<vmem>> -> memref<64x128xf32, #tpu.memory_space<vmem>>
    %dma_wait3A_308 = arith.constant 0 : i32
    %dma_wait3A_309 = tpu.memref_slice %arg4[%add3A_224, %dma_wait3A_308] : memref<16384x128xf32, #tpu.memory_space<hbm>> -> memref<64x128xf32, #tpu.memory_space<hbm>>
    %dma_wait3A_310 = arith.constant 0 : i32
    %dma_wait3A_311 = tpu.memref_slice %arg4[%add3A_224, %dma_wait3A_310] : memref<16384x128xf32, #tpu.memory_space<hbm>> -> memref<64x128xf32, #tpu.memory_space<hbm>>
    %dma_wait3A_312 = arith.constant 448 : i32
    %dma_wait3A_313 = arith.constant 0 : i32
    %dma_wait3A_314 = tpu.memref_slice %arg7[%dma_wait3A_312, %dma_wait3A_313] : memref<512x128xf32, #tpu.memory_space<vmem>> -> memref<64x128xf32, #tpu.memory_space<vmem>>
    tpu.wait_dma2 semaphore(%arg16 : memref<!tpu.dma_semaphore, #tpu.memory_space<semaphore_mem>>) src(%dma_wait3A_314 : memref<64x128xf32, #tpu.memory_space<vmem>>) dst(%dma_wait3A_311 : memref<64x128xf32, #tpu.memory_space<hbm>>)
    return
  }
}

module attributes {stable_mosaic.version = 14 : i64} {
  func.func @_mlp_body(%arg0: memref<1000x128xf32, #tpu.memory_space<vmem>>, %arg1: memref<128x128xf32, #tpu.memory_space<vmem>>, %arg2: memref<1x128xf32, #tpu.memory_space<vmem>>, %arg3: memref<128x128xf32, #tpu.memory_space<vmem>>, %arg4: memref<1x128xf32, #tpu.memory_space<vmem>>, %arg5: memref<1000x128xf32, #tpu.memory_space<vmem>>) attributes {dimension_semantics = [], scalar_prefetch = 0 : i64, scratch_operands = 0 : i64, tpu.core_type = #tpu.core_type<tc>} {
    %get3A = arith.constant 0 : index
    %get3A_0 = arith.constant 0 : index
    %get3A_1 = vector.load %arg0[%get3A, %get3A_0] : memref<1000x128xf32, #tpu.memory_space<vmem>>, vector<1000x128xf32>
    %get3A_2 = arith.constant 0 : index
    %get3A_3 = arith.constant 0 : index
    %get3A_4 = vector.load %arg1[%get3A_2, %get3A_3] : memref<128x128xf32, #tpu.memory_space<vmem>>, vector<128x128xf32>
    %dot_general3A = arith.constant dense<0.000000e+00> : vector<1000x128xf32>
    %dot_general3A_5 = tpu.matmul %get3A_1, %get3A_4, %dot_general3A {dimension_numbers = #tpu.dot_dimension_numbers<[1], [0], [0], [1], [0, 0, 1, 1], [], []>, transpose_lhs_hint = false} : vector<1000x128xf32>, vector<128x128xf32>, vector<1000x128xf32> -> vector<1000x128xf32>
    %get3A_6 = arith.constant 0 : index
    %get3A_7 = arith.constant 0 : index
    %get3A_8 = vector.load %arg2[%get3A_6, %get3A_7] : memref<1x128xf32, #tpu.memory_space<vmem>>, vector<1x128xf32>
    %add3A = vector.broadcast %get3A_8 : vector<1x128xf32> to vector<1000x128xf32>
    %add3A_9 = arith.addf %dot_general3A_5, %add3A : vector<1000x128xf32>
    %logistic3A = arith.negf %add3A_9 : vector<1000x128xf32>
    %logistic3A_10 = math.exp %logistic3A : vector<1000x128xf32>
    %logistic3A_11 = arith.constant 1.000000e+00 : f32
    %logistic3A_12 = vector.broadcast %logistic3A_11 : f32 to vector<1000x128xf32>
    %logistic3A_13 = arith.addf %logistic3A_12, %logistic3A_10 : vector<1000x128xf32>
    %logistic3A_14 = arith.divf %logistic3A_12, %logistic3A_13 : vector<1000x128xf32>
    %mul3A = arith.mulf %add3A_9, %logistic3A_14 : vector<1000x128xf32>
    %get3A_15 = arith.constant 0 : index
    %get3A_16 = arith.constant 0 : index
    %get3A_17 = vector.load %arg3[%get3A_15, %get3A_16] : memref<128x128xf32, #tpu.memory_space<vmem>>, vector<128x128xf32>
    %dot_general3A_18 = arith.constant dense<0.000000e+00> : vector<1000x128xf32>
    %dot_general3A_19 = tpu.matmul %mul3A, %get3A_17, %dot_general3A_18 {dimension_numbers = #tpu.dot_dimension_numbers<[1], [0], [0], [1], [0, 0, 1, 1], [], []>, transpose_lhs_hint = false} : vector<1000x128xf32>, vector<128x128xf32>, vector<1000x128xf32> -> vector<1000x128xf32>
    %get3A_20 = arith.constant 0 : index
    %get3A_21 = arith.constant 0 : index
    %get3A_22 = vector.load %arg4[%get3A_20, %get3A_21] : memref<1x128xf32, #tpu.memory_space<vmem>>, vector<1x128xf32>
    %add3A_23 = vector.broadcast %get3A_22 : vector<1x128xf32> to vector<1000x128xf32>
    %add3A_24 = arith.addf %dot_general3A_19, %add3A_23 : vector<1000x128xf32>
    %logistic3A_25 = arith.negf %add3A_24 : vector<1000x128xf32>
    %logistic3A_26 = math.exp %logistic3A_25 : vector<1000x128xf32>
    %logistic3A_27 = arith.constant 1.000000e+00 : f32
    %logistic3A_28 = vector.broadcast %logistic3A_27 : f32 to vector<1000x128xf32>
    %logistic3A_29 = arith.addf %logistic3A_28, %logistic3A_26 : vector<1000x128xf32>
    %logistic3A_30 = arith.divf %logistic3A_28, %logistic3A_29 : vector<1000x128xf32>
    %mul3A_31 = arith.mulf %add3A_24, %logistic3A_30 : vector<1000x128xf32>
    %swap3A = arith.constant 0 : index
    %swap3A_32 = arith.constant 0 : index
    %swap3A_33 = vector.load %arg5[%swap3A, %swap3A_32] : memref<1000x128xf32, #tpu.memory_space<vmem>>, vector<1000x128xf32>
    tpu.vector_store %arg5[%swap3A, %swap3A_32], %mul3A_31 {strides = array<i32>} : memref<1000x128xf32, #tpu.memory_space<vmem>>, vector<1000x128xf32>,
    return
  }
}

</mosaic_0001>

<sc_bundles>
// kernel: kernel.4.cloned.1.call-start
scs
__scs_entry_jumppad:
0x0: {  	(pc) =	sbr.rel $0x88, $3  }
0x1: {  	(tag) =	ssettag $0x0;
	lr =	simm.s32 $0x1  }
0x2: {  	[smem:$0x3F9B] =	sst lr;
	_ =	strace $0xD0000000  }
0x3: {  	_ = 	snop  }
0x4: {  	_ = 	snop  }
0x5: {  	_ = 	snop  }
0x6: {  	_ = 	snop  }
0x7: {  	_ = 	snop  }
__scs_overlays_trampoline_lowered:
0x8: {  	[smem:$0x3FAA] =	sst s0  }
0x9: {  	[smem:$0x3FAB] =	sst s1  }
0xa: {  	[smem:$0x3FAC] =	sst s2  }
0xb: {  	[smem:$0x3FAD] =	sst s3  }
0xc: {  	[smem:$0x3FAE] =	sst s4  }
0xd: {  	[smem:$0x3FAF] =	sst s5  }
0xe: {  	[smem:$0x3FB0] =	sst s6  }
0xf: {  	[smem:$0x3FB1] =	sst s7  }
0x10: {  	[smem:$0x3FB2] =	sst s8  }
0x11: {  	[smem:$0x3FB3] =	sst s9;
	s0 =	simm.s32 @!p0 $0x0  }
0x12: {  	s1 =	sld [smem:$0x3F99];
	s0 =	simm.s32 @p0 $0x1  }
0x13: {  	[smem:$0x3FB4] =	sst s0;
	s0 =	simm.s32 @!p1 $0x0  }
0x14: {  	s2 =	sld [smem:$0x3F98];
	s0 =	simm.s32 @p1 $0x1  }
0x15: {  	[smem:$0x3FB5] =	sst s0;
	s0 =	simm.s32 @!p2 $0x0  }
0x16: {  	s3 =	sld [smem:$0x3FDB];
	s0 =	simm.s32 @p2 $0x1  }
0x17: {  	s4 =	simm.s32 $0x1BF5;
	[smem:$0x3FB7] =	sst s0  }
0x18: {  	s0 =	sld [smem:$0x3F9A];
	_ =	swait.ge [sflag:s4], $0x0  }
0x19: {  	s7 =	sld [smem:$0x3F9B]  }
0x1a: {  	s8 =	sadd.s32 $0xFFFFE003, lr  }
0x1b: {  	s9 =	sadd.s32 $0xFFFFFEF7, lr;
	s5 =	simm.s32 $0xFFFFFFFF;
	p2 =	slt.u32 s8, $0xFFFFF086  }
0x1c: {  	p1 =	slt.u32 s9, $0xF7A;
	s5 =	simm.s32 @!p2 $0x0  }
0x1d: {  	s5 =	simm.s32 @p1 $0x1;
	p0 =	seq.s32 s7, s2  }
0x1e: {  	s7 =	smul.u32 @!p0 $0xF7A, s2;
	p2 =	seq.s32 @!p0 s5, $0x0  }
0x1f: {  	s9 =	smul.u32 $0xF7A, s1;
	s8 =	simm.s32 @!p0 $0x1BF5;
	p2 =	por !p2, p0  }
0x20: {  	[sflag:s8] =	ssyncset.s32 @!p0 $0xFFFFF086;
	s6 =	sadd.s32 @!p0 s3, s7;
	s7 =	simm.s32 @!p0 $0x108  }
0x21: {  	s3 =	sadd.s32 s3, s9;
	s6 =	sadd.s32 @!p0 $0x88, s6;
	s7 =	simm.s32 @p2 $0x1082  }
0x22: {  	[simem:s7], [sflag:s8] =	dma.local @!p0 [hbm:s6], $0xF7A  }
0x23: {  	s9 =	sor.u32 $0xD0000000, s2;
	s6 =	simm.s32 $0x108;
	_ =	swait.ge @!p0 [sflag:s8], $0x0  }
0x24: {  	s3 =	sadd.s32 $0x88, s3;
	s6 =	simm.s32 @!p1 $0x1082;
	[sflag:s4] =	ssyncset.s32 $0xFFFFF086  }
0x25: {  	[simem:s6], [sflag:s4] =	dma.local [hbm:s3], $0xF7A  }
0x26: {  	[smem:$0x3F9B] =	sst s1;
	(tag) =	ssettag s2;
	_ =	strace s9  }
0x27: {  	s1 =	sld [smem:$0x3FAB]  }
0x28: {  	s2 =	sld [smem:$0x3FAC]  }
0x29: {  	s4 =	sld [smem:$0x3FAE]  }
0x2a: {  	p0 =	seq.s32 s5, $0x0;
	s5 =	sld [smem:$0x3FAF]  }
0x2b: {  	s6 =	sld [smem:$0x3FB0]  }
0x2c: {  	s7 =	sld [smem:$0x3FB1]  }
0x2d: {  	s3 =	simm.s32 $0x108;
	s8 =	sld [smem:$0x3FB2]  }
0x2e: {  	s3 =	simm.s32 @!p0 $0x1082;
	s9 =	sld [smem:$0x3FB3]  }
0x2f: {  	lr =	sadd.s32 s0, s3;
	s0 =	sld [smem:$0x3FAA]  }
0x30: {  	s3 =	sld [smem:$0x3FAD]  }
0x31: {  	[smem:$0x3FB6] =	sst s10  }
0x32: {  	s10 =	sld [smem:$0x3FB4];
	_ =	sdelay $0x3  }
0x33: {  	p0 =	seq.s32 s10, $0x1;
	s10 =	sld [smem:$0x3FB6];
	_ =	sdelay $0x3  }
0x34: {  	[smem:$0x3FB6] =	sst s10  }
0x35: {  	s10 =	sld [smem:$0x3FB5];
	_ =	sdelay $0x3  }
0x36: {  	p1 =	seq.s32 s10, $0x1;
	s10 =	sld [smem:$0x3FB6];
	_ =	sdelay $0x3  }
0x37: {  	[smem:$0x3FB6] =	sst s10  }
0x38: {  	s10 =	sld [smem:$0x3FB7]  }
0x39: {  	_ = 	snop;
	(pc) =	sbr.ind lr, $3  }
0x3a: {  	_ = 	snop  }
0x3b: {  	_ = 	snop  }
0x3c: {  	p2 =	seq.s32 s10, $0x1;
	s10 =	sld [smem:$0x3FB6]  }
0x3d: {  	_ =	shalt  }
0x3e: {  	_ =	shalt  }
0x3f: {  	_ =	shalt  }
0x40: {  	_ =	shalt  }
0x41: {  	_ =	shalt  }
0x42: {  	_ =	shalt  }
0x43: {  	_ =	shalt  }
0x44: {  	_ =	shalt  }
0x45: {  	_ =	shalt  }
0x46: {  	_ =	shalt  }
0x47: {  	_ =	shalt  }
0x48: {  	_ =	shalt  }
0x49: {  	_ =	shalt  }
0x4a: {  	_ =	shalt  }
0x4b: {  	_ =	shalt  }
0x4c: {  	_ =	shalt  }
0x4d: {  	_ =	shalt  }
0x4e: {  	_ =	shalt  }
0x4f: {  	_ =	shalt  }
0x50: {  	_ =	shalt  }
0x51: {  	_ =	shalt  }
0x52: {  	_ =	shalt  }
0x53: {  	_ =	shalt  }
0x54: {  	_ =	shalt  }
0x55: {  	_ =	shalt  }
0x56: {  	_ =	shalt  }
0x57: {  	_ =	shalt  }
0x58: {  	_ =	shalt  }
0x59: {  	_ =	shalt  }
0x5a: {  	_ =	shalt  }
0x5b: {  	_ =	shalt  }
0x5c: {  	_ =	shalt  }
0x5d: {  	_ =	shalt  }
0x5e: {  	_ =	shalt  }
0x5f: {  	_ =	shalt  }
0x60: {  	_ =	shalt  }
0x61: {  	_ =	shalt  }
0x62: {  	_ =	shalt  }
0x63: {  	_ =	shalt  }
0x64: {  	_ =	shalt  }
0x65: {  	_ =	shalt  }
0x66: {  	_ =	shalt  }
0x67: {  	_ =	shalt  }
0x68: {  	_ =	shalt  }
0x69: {  	_ =	shalt  }
0x6a: {  	_ =	shalt  }
0x6b: {  	_ =	shalt  }
0x6c: {  	_ =	shalt  }
0x6d: {  	_ =	shalt  }
0x6e: {  	_ =	shalt  }
0x6f: {  	_ =	shalt  }
0x70: {  	_ =	shalt  }
0x71: {  	_ =	shalt  }
0x72: {  	_ =	shalt  }
0x73: {  	_ =	shalt  }
0x74: {  	_ =	shalt  }
0x75: {  	_ =	shalt  }
0x76: {  	_ =	shalt  }
0x77: {  	_ =	shalt  }
0x78: {  	_ =	shalt  }
0x79: {  	_ =	shalt  }
0x7a: {  	_ =	shalt  }
0x7b: {  	_ =	shalt  }
0x7c: {  	_ =	shalt  }
0x7d: {  	_ =	shalt  }
0x7e: {  	_ =	shalt  }
0x7f: {  	_ =	shalt  }
0x80: {  	_ =	shalt  }
0x81: {  	_ =	shalt  }
0x82: {  	_ =	shalt  }
0x83: {  	_ =	shalt  }
0x84: {  	_ =	shalt  }
0x85: {  	_ =	shalt  }
0x86: {  	_ =	shalt  }
0x87: {  	_ =	shalt  }
.Lfunc_end0:
.L_simem_size_0:
called_computation_lowered:
.L_overlay_start_0:
0x88: {  	s2 =	sld [smem:$0x3FD9]  }
0x89: {  	s3 =	sld [smem:$0x3FFE];
	_ =	sdelay $0x1  }
0x8a: {  	s1 =	srdreg.scid  }
0x8b: {  	s0 =	sand.u32 $0x1, s1  }
0x8c: {  	s17 =	sshll.u32 s0, $0xA;
	s2 =	sadd.s32 s3, s2  }
0x8d: {  	s2 =	sadd.s32 s2, s17  }
0x8e: {  	[smem:$0x3FC2] =	sst s2  }
0x8f: {  	_ = 	snop  }
0x90: {  	s2 =	sld [smem:$0x3FC9]  }
0x91: {  	s18 =	sld [smem:$0x3FD0];
	(tm) =	ssettm $0x1  }
0x92: {  	s4 =	sld [smem:$0x3FFB];
	_ =	sdelay $0x3  }
0x93: {  	_ =	strace s4  }
0x94: {  	s4 =	sld [smem:$0x3FFC];
	_ =	sdelay $0x3  }
0x95: {  	_ =	strace s4  }
0x96: {  	s4 =	sld [smem:$0x3FFD];
	_ =	sdelay $0x3  }
0x97: {  	_ =	strace s4  }
0x98: {  	_ =	strace $0x8FFFFFFF  }
0x99: {  	s19 =	sld [smem:$0x3FDB];
	_ =	sdelay $0x1  }
0x9a: {  	s5 =	simm.s32 $_scs_section_size  }
0x9b: {  	s6 =	simm.s32 $_size__tile_overlayer_lowered;
	s7 =	simm.s32 $_tile_overlayer_lowered  }
0x9c: {  	s22 =	simm.s32 $0x1BFF;
	s21 =	sshll.u32 s7, $0x1;
	s4 =	sadd.s32 s5, s19  }
0x9d: {  	s8 =	simm.s32 $0x0;
	s20 =	sshll.u32 s6, $0x1;
	s6 =	sadd.s32 s21, s4  }
0x9e: {  	[timem:s8], [sflag:s22] =	dma.local [hbm:s6], s20  }
0x9f: {  	_ =	swait.ge [sflag:s22], s20  }
0xa0: {  	s5 =	ssub.s32 $0x0, s20;
	[sflag:s22] =	ssyncset.done $0x0  }
0xa1: {  	[sflag:s22] =	ssyncadd.s32 s5;
	_ =	sdelay $0x1  }
0xa2: {  	s23 =	simm.s32 $0x1B8B  }
0xa3: {  	_ =	swait.ge [sflag:s23], $0x1  }
0xa4: {  	[sflag:s23] =	ssyncset.done $0x0  }
0xa5: {  	s25 =	simm.s32 $0x1B8E;
	s24 =	sld [smem:$0x3FFE];
	[sflag:s23] =	ssyncadd.s32 $0xFFFFFFFF  }
0xa6: {  	s26 =	simm.s32 $execute0_lowered;
	[smem:$0x3FD2] =	sst s25  }
0xa7: {  	s6 =	sshll.u32 s26, $0x1;
	_ =	strace $0x80000046;
	[dreg:$0x1] =	wrdreg $0xFFFFFFFF  }
0xa8: {  	s28 =	simm.s32 $_size_execute0_lowered;
	s4 =	sadd.s32 s4, s6;
	[dreg:$0x0] =	wrdreg $0x0  }
0xa9: {  	s6 =	sshll.u32 s28, $0x1;
	[dreg:$0x2] =	wrdreg s4  }
0xaa: {  	[dreg:$0x3] =	wrdreg s6  }
0xab: {  	[dreg:$0x4] =	wrdreg $0xC0  }
0xac: {  	_ =	task [dreg:s8], $0x5FFFF  }
0xad: {  	[dreg:$0x1] =	wrdreg $0xFFFFFFFF  }
0xae: {  	[dreg:$0x0] =	wrdreg $0x60  }
0xaf: {  	[dreg:$0x2] =	wrdreg s24  }
0xb0: {  	[dreg:$0x3] =	wrdreg s2  }
0xb1: {  	[dreg:$0x4] =	wrdreg s18  }
0xb2: {  	[dreg:$0x5] =	wrdreg $0x0  }
0xb3: {  	[dreg:$0x6] =	wrdreg $0x9  }
0xb4: {  	_ =	task.clear_ibuf [dreg:s8], $0x7FFFF;
	_ =	strace $0x90000046  }
0xb5: {  	s29 =	simm.s32 $0x9;
	_ =	strace $0x80000048  }
0xb6: {  	_ =	swait.ge [sflag:s29], $0x1  }
0xb7: {  	[sflag:s29] =	ssyncadd.s32 $0xFFFFFFFF  }
0xb8: {  	_ =	strace $0x90000048  }
0xb9: {  	_ =	sfence  }
0xba: {  	s30 =	sld [smem:$0x0];
	_ =	sdelay $0x2  }
0xbb: {  	s31 =	sshll.u32 s1, $0xD;
	s1 =	sshrl.u32 s1, $0x2  }
0xbc: {  	s3 =	sand.u32 $0x4000, s31;
	s1 =	sadd.s32 s1, s30  }
0xbd: {  	s0 =	sor.u32 s3, s0;
	s1 =	sshll.u32 s1, $0x11  }
0xbe: {  	s0 =	sor.u32 s1, s0  }
0xbf: {  	s0 =	sadd.s32 $0x8F2B, s0  }
0xc0: {  	[sflag:s0] =	ssyncadd.remote.s32 $0x1  }
0xc1: {  	_ =	sfence.sel $0xFFFF  }
0xc2: {  	[dreg:$0x0] =	wrdreg $0xFFFFFFFF;
	(pc) =	sbr.abs _section_cstart, $3  }
0xc3: {  	[dreg:$0x1] =	wrdreg $0xFFFFFFFF  }
0xc4: {  	_ =	task.clear_ibuf [dreg:s8], $0x2FFFF;
	_ =	strace $0x9FFFFFFF  }
0xc5: {  	(tm) =	ssettm $0x7FFFFFFF  }
tec
execute0_lowered:
.L_overlay_start_1:
0x0: {  	(tag) =	ssettag $0x1  }
0x1: {  	s4 =	rddreg [dreg:$0x0]  }
0x2: {  	s5 =	rddreg [dreg:$0x1];
	s1 =	srdreg.scid  }
0x3: {  	s6 =	rddreg [dreg:$0x2];
	s0 =	stileid.u32  }
0x4: {  	s2 =	rddreg [dreg:$0x3];
	s3 =	simm.s32 $0x0;
	s22 =	simm.s32 $0x1F80  }
0x5: {  	s23 =	simm.s32 $0x1FC0;
	[smem:$0x7FF] =	sst s3;
	s13 =	sadd.s32 $0x4C00, s4  }
0x6: {  	s1 =	sand.u32 $0x1, s1;
	_ =	strace $0x80000047;
	[dreg:$0x7] =	wrdreg s13  }
0x7: {  	s7 =	sshll.u32 s0, $0xA;
	s8 =	sshll.u32 s1, $0x9;
	[dreg:$0x12] =	wrdreg s22  }
0x8: {  	s25 =	simm.s32 $0x2000;
	[dreg:$0x13] =	wrdreg s23;
	s8 =	sor.u32 s8, s7  }
0x9: {  	[dreg:$0x14] =	wrdreg s25;
	s7 =	sadd.s32 s7, s4;
	s9 =	sshrl.u32 s8, $0x3  }
0xa: {  	s11 =	sadd.s32 $0x1000, s7;
	s12 =	sshll.u32 s8, $0x4;
	s8 =	rddreg [dreg:$0x7]  }
0xb: {  	s5 =	sadd.s32 s5, s9;
	[dreg:$0x6] =	wrdreg s11;
	s4 =	sadd.s32 s6, s12  }
0xc: {  	[dreg:$0x5] =	wrdreg s5;
	s14 =	sadd.s32 $0x400, s4  }
0xd: {  	s15 =	sadd.s32 $0x800, s4;
	[dreg:$0x8] =	wrdreg s14  }
0xe: {  	s16 =	sadd.s32 $0xC00, s4;
	[dreg:$0x9] =	wrdreg s15  }
0xf: {  	s17 =	sadd.s32 $0x1000, s4;
	[dreg:$0xa] =	wrdreg s16  }
0x10: {  	s19 =	sadd.s32 $0x1400, s4;
	[dreg:$0xb] =	wrdreg s17  }
0x11: {  	p0 =	seq.s32 s0, $0xF;
	s20 =	sadd.s32 $0x1800, s4;
	[dreg:$0xc] =	wrdreg s19  }
0x12: {  	s7 =	sadd.s32 $0x1E000, s2;
	s21 =	sadd.s32 $0x1C00, s4;
	[dreg:$0xd] =	wrdreg s20  }
0x13: {  	s5 =	sshrl.u32 @p0 s7, $0x3;
	[dreg:$0xe] =	wrdreg s21  }
0x14: {  	s7 =	sshll.u32 @!p0 s0, $0x6;
	[dreg:$0x11] =	wrdreg s5  }
0x15: {  	s18 =	sshll.u32 s0, $0xD;
	s5 =	sor.u32 @!p0 $0x1C0A, s7;
	s24 =	rddreg [dreg:$0x5]  }
0x16: {  	s6 =	sadd.s32 s18, s2;
	[dreg:$0xf] =	wrdreg s5  }
0x17: {  	s0 =	simm.s32 @p0 $0x1FCA;
	s5 =	sshrl.u32 @!p0 s6, $0x3;
	s10 =	rddreg [dreg:$0x11]  }
0x18: {  	s7 =	simm.s32 @p0 $0xA;
	[dreg:$0x10] =	wrdreg s5;
	s5 =	simm.s32 $0x1F40  }
0x19: {  	[tilespmem:s5], [sflag:$0x9] =	stream.linear.gather [hbm4b:s24+s3], $0x200, $0x38;
	[tilespmem:$0x12140] =	vst v63  }
0x1a: {  	[spmem:s10], [sflag:s0] =	dma.local @p0 [hbm:s8], $0x280  }
0x1b: {  	_ =	swait.ge @p0 [sflag:s7], $0x280  }
0x1c: {  	s8 =	rddreg [dreg:$0x10]  }
0x1d: {  	s10 =	rddreg [dreg:$0x6];
	[sflag:s7] =	ssyncset.done @p0 $0x0  }
0x1e: {  	s9 =	simm.s32 @!p0 $0xA;
	s11 =	rddreg [dreg:$0xf];
	[sflag:s7] =	ssyncadd.s32 @p0 $0xFFFFFD80  }
0x1f: {  	[spmem:s8], [sflag:s11] =	dma.local @!p0 [hbm:s10], $0x400  }
0x20: {  	_ =	swait.ge @!p0 [sflag:s9], $0x400  }
0x21: {  	[sflag:s9] =	ssyncset.done @!p0 $0x0  }
0x22: {  	s8 =	simm.s32 $0x9;
	[sflag:s9] =	ssyncadd.s32 @!p0 $0xFFFFFC00  }
0x23: {  	_ =	swait.ge [sflag:s8], $0x200  }
0x24: {  	[sflag:s8] =	ssyncset.done $0x0  }
0x25: {  	[sflag:s8] =	ssyncadd.s32 $0xFFFFFE00  }
0x26: {  	s10 =	simm.s32 $0x40;
	s11 =	simm.s32 $0x2140;
	[bflag:$0x0] =	sbarrier.arrive $0xFFFF  }
0x27: {  	[tilespmem:s11], [sflag:$0x1] =	stream.indirect.gather [spmem:s2], $0x80, s5, s10, $0xb8;
	[tilespmem:$0x12140] =	vst v63  }
0x28: {  	s12 =	simm.s32 $0x4140;
	s13 =	rddreg [dreg:$0x12]  }
0x29: {  	[tilespmem:s12], [sflag:$0x2] =	stream.indirect.gather [spmem:s2], $0x80, s13, s10, $0xb8;
	[tilespmem:$0x12140] =	vst v63  }
0x2a: {  	s14 =	rddreg [dreg:$0x13];
	s13 =	simm.s32 $0x6140  }
0x2b: {  	[tilespmem:s13], [sflag:$0x3] =	stream.indirect.gather [spmem:s2], $0x80, s14, s10, $0xb8;
	[tilespmem:$0x12140] =	vst v63  }
0x2c: {  	s15 =	rddreg [dreg:$0x14];
	s14 =	simm.s32 $0x8140  }
0x2d: {  	[tilespmem:s14], [sflag:$0x4] =	stream.indirect.gather [spmem:s2], $0x80, s15, s10, $0xb8;
	[tilespmem:$0x12140] =	vst v63  }
0x2e: {  	s26 =	simm.s32 $0x2040;
	s16 =	simm.s32 $0xA140  }
0x2f: {  	[tilespmem:s16], [sflag:$0x5] =	stream.indirect.gather [spmem:s2], $0x80, s26, s10, $0xb8;
	[tilespmem:$0x12140] =	vst v63  }
0x30: {  	s18 =	simm.s32 $0xC140;
	s17 =	simm.s32 $0x2080  }
0x31: {  	[tilespmem:s18], [sflag:$0x6] =	stream.indirect.gather [spmem:s2], $0x80, s17, s10, $0xb8;
	[tilespmem:$0x12140] =	vst v63  }
0x32: {  	s19 =	simm.s32 $0x20C0;
	s20 =	simm.s32 $0xE140  }
0x33: {  	[tilespmem:s20], [sflag:$0x7] =	stream.indirect.gather [spmem:s2], $0x80, s19, s10, $0xb8;
	[tilespmem:$0x12140] =	vst v63  }
0x34: {  	s22 =	simm.s32 $0x10140;
	s23 =	simm.s32 $0x1;
	s21 =	simm.s32 $0x2100  }
0x35: {  	[tilespmem:s22], [sflag:$0x8] =	stream.indirect.gather [spmem:s2], $0x80, s21, s10, $0xb8;
	[tilespmem:$0x12140] =	vst v63  }
0x36: {  	_ =	swait.ge [sflag:s23], $0x2000  }
0x37: {  	[sflag:s23] =	ssyncset.done $0x0  }
0x38: {  	s24 =	simm.s32 $0x2;
	[sflag:s23] =	ssyncadd.s32 $0xFFFFE000  }
0x39: {  	[hbm4b:s4+s3] =	stream.linear.scatter [tilespmem:s11], [sflag:$0x9], $0x2000, $0x38;
	[tilespmem:$0x12140] =	vst v63  }
0x3a: {  	_ =	swait.ge [sflag:s24], $0x2000  }
0x3b: {  	[sflag:s24] =	ssyncset.done $0x0  }
0x3c: {  	s25 =	rddreg [dreg:$0x8];
	[sflag:s24] =	ssyncadd.s32 $0xFFFFE000  }
0x3d: {  	[hbm4b:s25+s3] =	stream.linear.scatter [tilespmem:s12], [sflag:$0x9], $0x2000, $0x38;
	[tilespmem:$0x12140] =	vst v63  }
0x3e: {  	s25 =	simm.s32 $0x3  }
0x3f: {  	_ =	swait.ge [sflag:s25], $0x2000  }
0x40: {  	[sflag:s25] =	ssyncset.done $0x0  }
0x41: {  	s26 =	rddreg [dreg:$0x9];
	[sflag:s25] =	ssyncadd.s32 $0xFFFFE000  }
0x42: {  	[hbm4b:s26+s3] =	stream.linear.scatter [tilespmem:s13], [sflag:$0x9], $0x2000, $0x38;
	[tilespmem:$0x12140] =	vst v63  }
0x43: {  	s26 =	simm.s32 $0x4  }
0x44: {  	_ =	swait.ge [sflag:s26], $0x2000  }
0x45: {  	[sflag:s26] =	ssyncset.done $0x0  }
0x46: {  	s28 =	rddreg [dreg:$0xa];
	[sflag:s26] =	ssyncadd.s32 $0xFFFFE000  }
0x47: {  	[hbm4b:s28+s3] =	stream.linear.scatter [tilespmem:s14], [sflag:$0x9], $0x2000, $0x38;
	[tilespmem:$0x12140] =	vst v63  }
0x48: {  	s28 =	simm.s32 $0x5  }
0x49: {  	_ =	swait.ge [sflag:s28], $0x2000  }
0x4a: {  	[sflag:s28] =	ssyncset.done $0x0  }
0x4b: {  	s29 =	rddreg [dreg:$0xb];
	[sflag:s28] =	ssyncadd.s32 $0xFFFFE000  }
0x4c: {  	[hbm4b:s29+s3] =	stream.linear.scatter [tilespmem:s16], [sflag:$0x9], $0x2000, $0x38;
	[tilespmem:$0x12140] =	vst v63  }
0x4d: {  	s29 =	simm.s32 $0x6  }
0x4e: {  	_ =	swait.ge [sflag:s29], $0x2000  }
0x4f: {  	[sflag:s29] =	ssyncset.done $0x0  }
0x50: {  	s30 =	rddreg [dreg:$0xc];
	[sflag:s29] =	ssyncadd.s32 $0xFFFFE000  }
0x51: {  	[hbm4b:s30+s3] =	stream.linear.scatter [tilespmem:s18], [sflag:$0x9], $0x2000, $0x38;
	[tilespmem:$0x12140] =	vst v63  }
0x52: {  	s30 =	simm.s32 $0x7  }
0x53: {  	_ =	swait.ge [sflag:s30], $0x2000  }
0x54: {  	[sflag:s30] =	ssyncset.done $0x0  }
0x55: {  	s31 =	rddreg [dreg:$0xd];
	[sflag:s30] =	ssyncadd.s32 $0xFFFFE000  }
0x56: {  	[hbm4b:s31+s3] =	stream.linear.scatter [tilespmem:s20], [sflag:$0x9], $0x2000, $0x38;
	[tilespmem:$0x12140] =	vst v63  }
0x57: {  	s31 =	simm.s32 $0x8  }
0x58: {  	_ =	swait.ge [sflag:s31], $0x2000  }
0x59: {  	[sflag:s31] =	ssyncset.done $0x0  }
0x5a: {  	s6 =	rddreg [dreg:$0xe];
	[sflag:s31] =	ssyncadd.s32 $0xFFFFE000  }
0x5b: {  	[hbm4b:s6+s3] =	stream.linear.scatter [tilespmem:s22], [sflag:$0x9], $0x2000, $0x38;
	[tilespmem:$0x12140] =	vst v63  }
0x5c: {  	_ =	swait.ge [sflag:s8], $0x2000  }
0x5d: {  	[sflag:s8] =	ssyncset.done $0x0  }
0x5e: {  	[sflag:s8] =	ssyncadd.s32 $0xFFFFE000  }
0x5f: {  	_ =	swait.ge [sflag:s8], $0x2000  }
0x60: {  	[sflag:s8] =	ssyncset.done $0x0  }
0x61: {  	[sflag:s8] =	ssyncadd.s32 $0xFFFFE000  }
0x62: {  	_ =	swait.ge [sflag:s8], $0x2000  }
0x63: {  	[sflag:s8] =	ssyncset.done $0x0  }
0x64: {  	[sflag:s8] =	ssyncadd.s32 $0xFFFFE000  }
0x65: {  	s15 =	ssub.s32 $0x2, s1;
	_ =	swait.ge [sflag:s8], $0x2000  }
0x66: {  	s1 =	sshrl.u32 s15, $0x1;
	[sflag:s8] =	ssyncset.done $0x0  }
0x67: {  	s0 =	ssub.s32 s15, s1;
	[sflag:s8] =	ssyncadd.s32 $0xFFFFE000  }
0x68: {  	s0 =	smax.u32 s0, $0x1;
	_ =	swait.ge [sflag:s8], $0x2000  }
0x69: {  	s1 =	sadd.s32 $0xFFFFFFFF, s0;
	[sflag:s8] =	ssyncset.done $0x0  }
0x6a: {  	p1 =	sne.s32 s1, $0x0;
	[sflag:s8] =	ssyncadd.s32 $0xFFFFE000  }
.Ltmp0:
0x6b: {  	_ =	swait.ge [sflag:s8], $0x2000;
	(pc) =	sbr.rel @!p1 .LBB2_2-.Ltmp0, $4  }
0x6c: {  	[sflag:s8] =	ssyncset.done $0x0  }
0x6d: {  	[sflag:s8] =	ssyncadd.s32 $0xFFFFE000  }
0x6e: {  	_ =	swait.ge [sflag:s8], $0x2000  }
0x6f: {  	[sflag:s8] =	ssyncset.done $0x0  }
.LBB2_1:
0x70: {  	[sflag:s8] =	ssyncadd.s32 $0xFFFFE000  }
0x71: {  	_ =	swait.ge [sflag:s8], $0x2000  }
0x72: {  	s0 =	rddreg [dreg:$0x7];
	[sflag:s8] =	ssyncset.done $0x0  }
0x73: {  	s6 =	rddreg [dreg:$0x5];
	[sflag:s8] =	ssyncadd.s32 $0xFFFFE000  }
0x74: {  	[tilespmem:s5], [sflag:$0x9] =	stream.linear.gather [hbm4b:s6+s3], $0x200, $0x38;
	[tilespmem:$0x12140] =	vst v63  }
0x75: {  	s15 =	rddreg [dreg:$0x11];
	s6 =	simm.s32 @p0 $0x1FCA  }
0x76: {  	[spmem:s15], [sflag:s6] =	dma.local @p0 [hbm:s0], $0x280  }
0x77: {  	_ =	swait.ge @p0 [sflag:s7], $0x280  }
0x78: {  	s0 =	rddreg [dreg:$0x10]  }
0x79: {  	[sflag:s7] =	ssyncset.done @p0 $0x0;
	s6 =	rddreg [dreg:$0x6]  }
0x7a: {  	s15 =	rddreg [dreg:$0xf];
	[sflag:s7] =	ssyncadd.s32 @p0 $0xFFFFFD80  }
0x7b: {  	[spmem:s0], [sflag:s15] =	dma.local @!p0 [hbm:s6], $0x400  }
0x7c: {  	_ =	swait.ge @!p0 [sflag:s9], $0x400  }
0x7d: {  	[sflag:s9] =	ssyncset.done @!p0 $0x0  }
0x7e: {  	[sflag:s9] =	ssyncadd.s32 @!p0 $0xFFFFFC00  }
0x7f: {  	_ =	swait.ge [sflag:s8], $0x200  }
0x80: {  	[sflag:s8] =	ssyncset.done $0x0  }
0x81: {  	[sflag:s8] =	ssyncadd.s32 $0xFFFFFE00  }
0x82: {  	[bflag:$0x0] =	sbarrier.arrive $0xFFFF  }
0x83: {  	[tilespmem:s11], [sflag:$0x1] =	stream.indirect.gather [spmem:s2], $0x80, s5, s10, $0xb8;
	[tilespmem:$0x12140] =	vst v63  }
0x84: {  	s15 =	rddreg [dreg:$0x12]  }
0x85: {  	[tilespmem:s12], [sflag:$0x2] =	stream.indirect.gather [spmem:s2], $0x80, s15, s10, $0xb8;
	[tilespmem:$0x12140] =	vst v63  }
0x86: {  	s6 =	rddreg [dreg:$0x13]  }
0x87: {  	[tilespmem:s13], [sflag:$0x3] =	stream.indirect.gather [spmem:s2], $0x80, s6, s10, $0xb8;
	[tilespmem:$0x12140] =	vst v63  }
0x88: {  	s15 =	rddreg [dreg:$0x14]  }
0x89: {  	[tilespmem:s14], [sflag:$0x4] =	stream.indirect.gather [spmem:s2], $0x80, s15, s10, $0xb8;
	[tilespmem:$0x12140] =	vst v63  }
0x8a: {  	s6 =	simm.s32 $0x2040  }
0x8b: {  	[tilespmem:s16], [sflag:$0x5] =	stream.indirect.gather [spmem:s2], $0x80, s6, s10, $0xb8;
	[tilespmem:$0x12140] =	vst v63  }
0x8c: {  	_ = 	snop  }
0x8d: {  	[tilespmem:s18], [sflag:$0x6] =	stream.indirect.gather [spmem:s2], $0x80, s17, s10, $0xb8;
	[tilespmem:$0x12140] =	vst v63  }
0x8e: {  	_ = 	snop  }
0x8f: {  	[tilespmem:s20], [sflag:$0x7] =	stream.indirect.gather [spmem:s2], $0x80, s19, s10, $0xb8;
	[tilespmem:$0x12140] =	vst v63  }
0x90: {  	_ = 	snop  }
0x91: {  	[tilespmem:s22], [sflag:$0x8] =	stream.indirect.gather [spmem:s2], $0x80, s21, s10, $0xb8;
	[tilespmem:$0x12140] =	vst v63  }
0x92: {  	_ =	swait.ge [sflag:s23], $0x2000  }
0x93: {  	[sflag:s23] =	ssyncset.done $0x0  }
0x94: {  	[sflag:s23] =	ssyncadd.s32 $0xFFFFE000  }
0x95: {  	[hbm4b:s4+s3] =	stream.linear.scatter [tilespmem:s11], [sflag:$0x9], $0x2000, $0x38;
	[tilespmem:$0x12140] =	vst v63  }
0x96: {  	_ =	swait.ge [sflag:s24], $0x2000  }
0x97: {  	[sflag:s24] =	ssyncset.done $0x0  }
0x98: {  	s15 =	rddreg [dreg:$0x8];
	[sflag:s24] =	ssyncadd.s32 $0xFFFFE000  }
0x99: {  	[hbm4b:s15+s3] =	stream.linear.scatter [tilespmem:s12], [sflag:$0x9], $0x2000, $0x38;
	[tilespmem:$0x12140] =	vst v63  }
0x9a: {  	_ =	swait.ge [sflag:s25], $0x2000  }
0x9b: {  	[sflag:s25] =	ssyncset.done $0x0  }
0x9c: {  	s6 =	rddreg [dreg:$0x9];
	[sflag:s25] =	ssyncadd.s32 $0xFFFFE000  }
0x9d: {  	[hbm4b:s6+s3] =	stream.linear.scatter [tilespmem:s13], [sflag:$0x9], $0x2000, $0x38;
	[tilespmem:$0x12140] =	vst v63  }
0x9e: {  	_ =	swait.ge [sflag:s26], $0x2000  }
0x9f: {  	[sflag:s26] =	ssyncset.done $0x0  }
0xa0: {  	s15 =	rddreg [dreg:$0xa];
	[sflag:s26] =	ssyncadd.s32 $0xFFFFE000  }
0xa1: {  	[hbm4b:s15+s3] =	stream.linear.scatter [tilespmem:s14], [sflag:$0x9], $0x2000, $0x38;
	[tilespmem:$0x12140] =	vst v63  }
0xa2: {  	_ =	swait.ge [sflag:s28], $0x2000  }
0xa3: {  	[sflag:s28] =	ssyncset.done $0x0  }
0xa4: {  	s6 =	rddreg [dreg:$0xb];
	[sflag:s28] =	ssyncadd.s32 $0xFFFFE000  }
0xa5: {  	[hbm4b:s6+s3] =	stream.linear.scatter [tilespmem:s16], [sflag:$0x9], $0x2000, $0x38;
	[tilespmem:$0x12140] =	vst v63  }
0xa6: {  	_ =	swait.ge [sflag:s29], $0x2000  }
0xa7: {  	[sflag:s29] =	ssyncset.done $0x0  }
0xa8: {  	s15 =	rddreg [dreg:$0xc];
	[sflag:s29] =	ssyncadd.s32 $0xFFFFE000  }
0xa9: {  	[hbm4b:s15+s3] =	stream.linear.scatter [tilespmem:s18], [sflag:$0x9], $0x2000, $0x38;
	[tilespmem:$0x12140] =	vst v63  }
0xaa: {  	_ =	swait.ge [sflag:s30], $0x2000  }
0xab: {  	[sflag:s30] =	ssyncset.done $0x0  }
0xac: {  	s6 =	rddreg [dreg:$0xd];
	[sflag:s30] =	ssyncadd.s32 $0xFFFFE000  }
0xad: {  	[hbm4b:s6+s3] =	stream.linear.scatter [tilespmem:s20], [sflag:$0x9], $0x2000, $0x38;
	[tilespmem:$0x12140] =	vst v63  }
0xae: {  	_ =	swait.ge [sflag:s31], $0x2000  }
0xaf: {  	[sflag:s31] =	ssyncset.done $0x0  }
0xb0: {  	s15 =	rddreg [dreg:$0xe];
	[sflag:s31] =	ssyncadd.s32 $0xFFFFE000  }
0xb1: {  	[hbm4b:s15+s3] =	stream.linear.scatter [tilespmem:s22], [sflag:$0x9], $0x2000, $0x38;
	[tilespmem:$0x12140] =	vst v63  }
0xb2: {  	_ =	swait.ge [sflag:s8], $0x2000  }
0xb3: {  	[sflag:s8] =	ssyncset.done $0x0  }
0xb4: {  	[sflag:s8] =	ssyncadd.s32 $0xFFFFE000  }
0xb5: {  	_ =	swait.ge [sflag:s8], $0x2000  }
0xb6: {  	[sflag:s8] =	ssyncset.done $0x0  }
0xb7: {  	[sflag:s8] =	ssyncadd.s32 $0xFFFFE000  }
0xb8: {  	_ =	swait.ge [sflag:s8], $0x2000  }
0xb9: {  	[sflag:s8] =	ssyncset.done $0x0  }
0xba: {  	[sflag:s8] =	ssyncadd.s32 $0xFFFFE000  }
0xbb: {  	_ =	swait.ge [sflag:s8], $0x2000  }
0xbc: {  	[sflag:s8] =	ssyncset.done $0x0  }
0xbd: {  	[sflag:s8] =	ssyncadd.s32 $0xFFFFE000  }
0xbe: {  	_ =	swait.ge [sflag:s8], $0x2000  }
0xbf: {  	s1 =	sadd.s32 $0xFFFFFFFF, s1;
	[sflag:s8] =	ssyncset.done $0x0  }
0xc0: {  	p1 =	sne.s32 s1, $0x0;
	[sflag:s8] =	ssyncadd.s32 $0xFFFFE000  }
.Ltmp1:
0xc1: {  	_ =	swait.ge [sflag:s8], $0x2000;
	(pc) =	sbr.rel @p1 .LBB2_1-.Ltmp1, $4  }
0xc2: {  	[sflag:s8] =	ssyncset.done $0x0  }
0xc3: {  	[sflag:s8] =	ssyncadd.s32 $0xFFFFE000  }
0xc4: {  	_ =	swait.ge [sflag:s8], $0x2000  }
0xc5: {  	[sflag:s8] =	ssyncset.done $0x0  }
.LBB2_2:
0xc6: {  	[sflag:s8] =	ssyncadd.s32 $0xFFFFE000  }
0xc7: {  	_ =	swait.ge [sflag:s8], $0x2000  }
0xc8: {  	[sflag:s8] =	ssyncset.done $0x0  }
0xc9: {  	[sflag:s8] =	ssyncadd.s32 $0xFFFFE000  }
0xca: {  	_ =	sfence.sel $0x180000  }
0xcb: {  	[bflag:$0x0] =	sbarrier.arrive $0xFFFF  }
0xcc: {  	_ =	strace $0x90000047  }
0xcd: {  	s0 =	stileid.u32;
	[bflag:$0x2] =	sbarrier.arrive $0xFFFF  }
0xce: {  	p0 =	sne.s32 s0, $0x0;
	s0 =	rddreg [dreg:$0x4]  }
0xcf: {  	s0 =	sadd.s32 @!p0 $0x100000, s0  }
0xd0: {  	[sflag:s0] =	ssyncadd.tile.s32 @!p0 $0x1;
	_ =	shalt  }
.Lfunc_end2:
_tile_overlayer_lowered:
.L_overlay_start_2:
0xd1: {  	(tag) =	ssettag $0x2  }
0xd2: {  	s0 =	rddreg [dreg:$0x0];
	s2 =	stileid.u32  }
0xd3: {  	s1 =	rddreg [dreg:$0x1];
	p0 =	sne.s32 s2, $0x0  }
0xd4: {  	s3 =	rddreg [dreg:$0x2];
	[bflag:$0x3] =	sbarrier.arrive $0xFFFF;
	s2 =	simm.s32 @!p0 $0x1C0B  }
0xd5: {  	[timem:s3], [sflag:s2] =	dma.local @!p0 [hbm:s0], s1  }
0xd6: {  	s0 =	simm.s32 @!p0 $0xB  }
0xd7: {  	_ =	swait.ge @!p0 [sflag:s0], s1  }
0xd8: {  	s1 =	ssub.s32 @!p0 $0x0, s1;
	[sflag:s0] =	ssyncset.done @!p0 $0x0  }
0xd9: {  	[sflag:s0] =	ssyncadd.s32 @!p0 s1  }
0xda: {  	[bflag:$0x3] =	sbarrier.arrive $0xFFFF  }
0xdb: {  	_ =	shalt  }

</sc_bundles>
